<compile_context>
chip_gen: v7x
topology: tpu7x:2x2x1
jax: 0.10.2.dev20260603
libtpu: 0.0.44.dev20260713+nightly
codegen_flags: <defaults>
</compile_context>

<pallas_src>
import functools

import jax
import jax.numpy as jnp
from jax import lax
from jax.experimental import pallas as pl
from jax.experimental.pallas import tpu as pltpu
from jax.experimental.pallas import tpu_sc as plsc

K = 8192
D = 256
Q = 65536
N = 16384
BETA = 0.25
ALPHA = 1.0
GAMMA = 1.0

_TM = 256
_NS_ITERS = 16

_NC = 2
_NSUB = 16
_NW = _NC * _NSUB
_BPW = N // _NW
_CH = 128


def _k1a_body(z_ref, zsq_ref, e_ref, esq_ref, d_ref):
    dot = lax.dot_general(z_ref[...], e_ref[...], (((1,), (1,)), ((), ())),
                          preferred_element_type=jnp.float32)
    d_ref[...] = (zsq_ref[...] + esq_ref[...]) - 2.0 * dot


def _k1b_body(d_ref, tok_ref):
    dmat = d_ref[...]
    lmin = jnp.min(dmat, axis=1, keepdims=True)
    iota = lax.broadcasted_iota(jnp.int32, dmat.shape, 1)
    idx = jnp.min(jnp.where(dmat == lmin, iota, 2**30), axis=1)
    tok_ref[...] = idx.astype(jnp.int32)[None, None, :]


def _compute_tokens(z_flat, zsq, emb_weight, esq):
    nb = N // _TM
    d = pl.pallas_call(
        _k1a_body,
        grid=(nb,),
        in_specs=[
            pl.BlockSpec((_TM, D), lambda i: (i, 0)),
            pl.BlockSpec((_TM, 1), lambda i: (i, 0)),
            pl.BlockSpec((K, D), lambda i: (0, 0)),
            pl.BlockSpec((1, K), lambda i: (0, 0)),
        ],
        out_specs=pl.BlockSpec((_TM, K), lambda i: (i, 0)),
        out_shape=jax.ShapeDtypeStruct((N, K), jnp.float32),
    )(z_flat, zsq, emb_weight, esq.reshape(1, K))
    tok3 = pl.pallas_call(
        _k1b_body,
        grid=(nb,),
        in_specs=[pl.BlockSpec((_TM, K), lambda i: (i, 0))],
        out_specs=pl.BlockSpec((1, 1, _TM), lambda i: (i, 0, 0)),
        out_shape=jax.ShapeDtypeStruct((nb, 1, _TM), jnp.int32),
    )(d)
    return tok3.reshape(N)


_BINS = K // _NW


def _sc_body(emb_hbm, tok_hbm, zq_hbm, idx_v, rows_v, sem):
    c = lax.axis_index("c")
    s = lax.axis_index("s")
    wid = c * _NSUB + s
    base = wid * _BPW
    nch = _BPW // _CH

    for h in range(nch):
        pltpu.sync_copy(tok_hbm.at[pl.ds(base + h * _CH, _CH)], idx_v.at[h])
    for h in range(nch):
        pltpu.async_copy(emb_hbm.at[idx_v.at[h]], rows_v, sem).wait()
        pltpu.sync_copy(rows_v, zq_hbm.at[pl.ds(base + h * _CH, _CH)])


def _sc_gather(emb_weight, token):
    mesh = plsc.VectorSubcoreMesh(core_axis_name="c", subcore_axis_name="s")
    kern = functools.partial(
        pl.kernel,
        mesh=mesh,
        out_type=jax.ShapeDtypeStruct((N, D), jnp.float32),
        scratch_types=[
            pltpu.VMEM((_BPW // _CH, _CH), jnp.int32),
            pltpu.VMEM((_CH, D), jnp.float32),
            pltpu.SemaphoreType.DMA,
        ],
    )(_sc_body)
    return kern(emb_weight, token)


def _k3_body(z_ref, q_ref, e_ref, gq_ref, qs_ref, gc_ref, es_ref,
             gq_s, qs_s, gc_s, es_s):
    i = pl.program_id(0)

    @pl.when(i == 0)
    def _():
        gq_s[...] = jnp.zeros_like(gq_s)
        qs_s[...] = jnp.zeros_like(qs_s)
        gc_s[...] = jnp.zeros_like(gc_s)
        es_s[...] = jnp.zeros_like(es_s)

    @pl.when(i < 16)
    def _():
        x = jnp.where(i < 4, z_ref[...], q_ref[...])
        gq_s[...] += lax.dot_general(x, x, (((0,), (0,)), ((), ())),
                                     preferred_element_type=jnp.float32)
        qs_s[...] += jnp.sum(x, axis=0, keepdims=True)

    @pl.when(i >= 16)
    def _():
        xe = e_ref[...]
        gc_s[...] += lax.dot_general(xe, xe, (((0,), (0,)), ((), ())),
                                     preferred_element_type=jnp.float32)
        es_s[...] += jnp.sum(xe, axis=0, keepdims=True)

    @pl.when(i == 17)
    def _():
        gq_ref[...] = gq_s[...]
        qs_ref[...] = qs_s[...]
        gc_ref[...] = gc_s[...]
        es_ref[...] = es_s[...]


def _compute_grams(z_flat, queue, emb_weight):
    nb = 18
    return pl.pallas_call(
        _k3_body,
        grid=(nb,),
        in_specs=[
            pl.BlockSpec((4096, D), lambda i: (jnp.minimum(i, 3), 0)),
            pl.BlockSpec((4096, D), lambda i: (jnp.clip(i, 4, 15), 0)),
            pl.BlockSpec((4096, D), lambda i: (jnp.clip(i - 16, 0, 1), 0)),
        ],
        out_specs=[
            pl.BlockSpec((D, D), lambda i: (0, 0)),
            pl.BlockSpec((1, D), lambda i: (0, 0)),
            pl.BlockSpec((D, D), lambda i: (0, 0)),
            pl.BlockSpec((1, D), lambda i: (0, 0)),
        ],
        out_shape=[
            jax.ShapeDtypeStruct((D, D), jnp.float32),
            jax.ShapeDtypeStruct((1, D), jnp.float32),
            jax.ShapeDtypeStruct((D, D), jnp.float32),
            jax.ShapeDtypeStruct((1, D), jnp.float32),
        ],
        scratch_shapes=[
            pltpu.VMEM((D, D), jnp.float32),
            pltpu.VMEM((1, D), jnp.float32),
            pltpu.VMEM((D, D), jnp.float32),
            pltpu.VMEM((1, D), jnp.float32),
        ],
    )(z_flat, queue, emb_weight)


def _k5_body(z_ref, zq_ref, tok_ref, out_ref, mse_ref, hist_ref, acc, hacc):
    i = pl.program_id(0)
    zb = z_ref[...]
    diff = zq_ref[...] - zb
    out_ref[...] = zb + diff
    part = jnp.sum(diff * diff)

    @pl.when(i == 0)
    def _():
        acc[...] = jnp.zeros((1, 1), jnp.float32)
        hacc[...] = jnp.zeros((1, K), jnp.float32)
    acc[...] = acc[...] + part

    tok = tok_ref[...]
    BC = 512
    for b in range(K // BC):
        bins = lax.broadcasted_iota(jnp.int32, (1, BC), 1) + b * BC
        eq = (tok == bins).astype(jnp.float32)
        hacc[:, b * BC:(b + 1) * BC] += jnp.sum(eq, axis=0, keepdims=True)

    @pl.when(i == pl.num_programs(0) - 1)
    def _():
        mse_ref[...] = acc[...]
        hist_ref[...] = hacc[...]


def _st_mse_hist(z_flat, z_q, tok2):
    nb = 8
    tm = N // nb
    return pl.pallas_call(
        _k5_body,
        grid=(nb,),
        in_specs=[
            pl.BlockSpec((tm, D), lambda i: (i, 0)),
            pl.BlockSpec((tm, D), lambda i: (i, 0)),
            pl.BlockSpec((tm, 1), lambda i: (i, 0)),
        ],
        out_specs=[
            pl.BlockSpec((tm, D), lambda i: (i, 0)),
            pl.BlockSpec((1, 1), lambda i: (0, 0)),
            pl.BlockSpec((1, K), lambda i: (0, 0)),
        ],
        out_shape=[
            jax.ShapeDtypeStruct((N, D), jnp.float32),
            jax.ShapeDtypeStruct((1, 1), jnp.float32),
            jax.ShapeDtypeStruct((1, K), jnp.float32),
        ],
        scratch_shapes=[pltpu.VMEM((1, 1), jnp.float32),
                        pltpu.VMEM((1, K), jnp.float32)],
    )(z_flat, z_q, tok2)


def _k4_body(gq_ref, qs_ref, gc_ref, es_ref, hp_ref, mse_ref,
             loss_ref, w_ref, qe_ref, util_ref, perp_ref):
    f32 = jnp.float32
    Kf, Qf, Df = f32(K), f32(Q), f32(D)
    eye_r = lax.broadcasted_iota(jnp.int32, (D, D), 0)
    eye_c = lax.broadcasted_iota(jnp.int32, (D, D), 1)
    eye = (eye_r == eye_c).astype(f32)

    gq = gq_ref[...]
    gc = gc_ref[...]
    qs = qs_ref[...]
    es = es_ref[...]

    c_mean_raw = es / Kf
    diag_gc = jnp.sum(gc * eye, axis=0, keepdims=True)
    var_c = (diag_gc - Kf * c_mean_raw * c_mean_raw) / (Kf - 1.0)
    std = jnp.sqrt(jnp.max(var_c))
    s = std + 1e-8
    s2 = s * s

    z_mean = qs / (Qf * s)
    c_mean = es / (Kf * s)
    dm = z_mean - c_mean
    part_mean = jnp.sum(dm * dm)

    z_cov = (gq / s2 - Qf * (z_mean.T * z_mean)) / (Qf - 1.0) + 1e-6 * eye
    c_cov = (gc / s2 - Kf * (c_mean.T * c_mean)) / (Kf - 1.0) + 1e-6 * eye
    tr_zc = jnp.sum((z_cov + c_cov) * eye)

    m = lax.dot_general(z_cov, c_cov, (((1,), (0,)), ((), ())),
                        preferred_element_type=f32)
    fro = jnp.sqrt(jnp.sum(m * m))
    y = m / fro
    zz = eye
    for _ in range(_NS_ITERS):
        t = 1.5 * eye - 0.5 * lax.dot_general(zz, y, (((1,), (0,)), ((), ())),
                                              preferred_element_type=f32)
        y = lax.dot_general(y, t, (((1,), (0,)), ((), ())),
                            preferred_element_type=f32)
        zz = lax.dot_general(t, zz, (((1,), (0,)), ((), ())),
                             preferred_element_type=f32)
    tr_sqrt = jnp.sqrt(fro) * jnp.sum(y * eye)

    part_cov = jnp.maximum(tr_zc - 2.0 * tr_sqrt, 0.0)
    w = jnp.sqrt(part_mean + part_cov + 1e-10)

    mse_sum = jnp.sum(mse_ref[...])
    mse = mse_sum / (f32(N) * Df)
    loss = BETA * mse + ALPHA * mse + GAMMA * w
    qe = mse_sum / f32(N)

    hist = hp_ref[...]
    usage = jnp.sum((hist > 0.0).astype(f32))
    util = usage / Kf
    tot = jnp.sum(hist)
    p = hist / tot
    perp = jnp.exp(-jnp.sum(p * jnp.log(p + 1e-10)))

    loss_ref[...] = jnp.full((1, 1), loss, f32)
    w_ref[...] = jnp.full((1, 1), w, f32)
    qe_ref[...] = jnp.full((1, 1), qe, f32)
    util_ref[...] = jnp.full((1, 1), util, f32)
    perp_ref[...] = jnp.full((1, 1), perp, f32)


def _finalize(gq, qsum, gc, esum, hist_parts, mse_sum):
    scal = jax.ShapeDtypeStruct((1, 1), jnp.float32)
    return pl.pallas_call(
        _k4_body,
        in_specs=[
            pl.BlockSpec((D, D), lambda: (0, 0)),
            pl.BlockSpec((1, D), lambda: (0, 0)),
            pl.BlockSpec((D, D), lambda: (0, 0)),
            pl.BlockSpec((1, D), lambda: (0, 0)),
            pl.BlockSpec((1, K), lambda: (0, 0)),
            pl.BlockSpec((1, 1), lambda: (0, 0)),
        ],
        out_specs=[pl.BlockSpec((1, 1), lambda: (0, 0))] * 5,
        out_shape=[scal] * 5,
    )(gq, qsum, gc, esum, hist_parts, mse_sum)


def kernel(z, emb_weight, queue):
    zt = jnp.transpose(z, (0, 2, 3, 1))
    z_flat = zt.reshape(-1, D)
    zsq = jnp.sum(z_flat ** 2, axis=1, keepdims=True)
    esq = jnp.sum(emb_weight ** 2, axis=1)

    token = _compute_tokens(z_flat, zsq, emb_weight, esq)

    z_q = _sc_gather(emb_weight, token)

    zq_st, mse_sum, hist_parts = _st_mse_hist(z_flat, z_q,
                                              token.reshape(N, 1))
    gq, qsum, gc, esum = _compute_grams(z_flat, queue, emb_weight)
    loss, w_loss, qe, util, perp = _finalize(gq, qsum, gc, esum,
                                             hist_parts, mse_sum)

    zq_out = jnp.transpose(zq_st.reshape(16, 32, 32, D), (0, 3, 1, 2))
    return (zq_out, loss.reshape(()), w_loss.reshape(()), qe.reshape(()),
            util.reshape(()), perp.reshape(()))

# --- scband reference (transcript-rebuilt; emitter-appended) ---
"""Pipeline reference for scband-wasserstein-quantizer-17995912970294 (READ-ONLY COPY).

The authoritative reference and input builder live on the scoring server;
editing this copy changes nothing except your own understanding.
"""

import jax, jax.numpy as jnp
import numpy as np

CODEBOOK_SIZE = 8192
CODEBOOK_DIM = 256
QUEUE_SIZE = 65536
BETA = 0.25
ALPHA = 1.0
GAMMA = 1.0


def setup_inputs(seed: int = 0) -> dict:
    key = jax.random.key(seed)
    k1, k2, k3 = jax.random.split(key, 3)
    z = jax.random.normal(k1, (16, 256, 32, 32), dtype=jnp.float32)
    emb_weight = jax.random.normal(k2, (CODEBOOK_SIZE, CODEBOOK_DIM), dtype=jnp.float32) * 0.01
    queue = jax.random.normal(k3, (QUEUE_SIZE, CODEBOOK_DIM), dtype=jnp.float32) * 0.01
    return {"z": z, "emb_weight": emb_weight, "queue": queue}


def _nan0(x):
    return jnp.nan_to_num(x, nan=0.0, posinf=0.0, neginf=0.0)


def _calc_wasserstein_loss(zq_feat, c):
    D = zq_feat.shape[1]
    std = jax.lax.stop_gradient(jnp.max(jnp.std(c, axis=0, ddof=1)))
    z = zq_feat / (std + 1e-08)
    c = c / (std + 1e-08)
    eye = jnp.eye(D, dtype=z.dtype)
    z_mean = jax.lax.stop_gradient(jnp.mean(z, axis=0))
    z_cov = jax.lax.stop_gradient(jnp.cov(z.T) + 1e-06 * eye)
    c_mean = jnp.mean(c, axis=0)
    c_cov = jnp.cov(c.T) + 1e-06 * eye
    diff = z_mean - c_mean
    part_mean = jnp.sum(diff * diff)
    S1, Q1 = jnp.linalg.eigh(z_cov)
    sqrt_S1 = jnp.diag(jnp.sqrt(jax.nn.relu(S1) + 1e-08))
    temp = _nan0(Q1 @ sqrt_S1)
    z_sqrt_cov = _nan0(temp @ Q1.T)
    z_sqrt_cov = jax.lax.stop_gradient(_nan0(z_sqrt_cov))
    temp = _nan0(z_sqrt_cov @ c_cov)
    covariance = _nan0(temp @ z_sqrt_cov)
    S2, Q2 = jnp.linalg.eigh(covariance)
    sqrt_S2 = jnp.sqrt(jax.nn.relu(S2) + 1e-08)
    part_cov = jax.nn.relu(jnp.trace(jax.lax.stop_gradient(z_cov) + c_cov) - 2.0 * jnp.sum(sqrt_S2))
    return jnp.sqrt(part_mean + part_cov + 1e-10)


def reference(z, emb_weight, queue):
    B, C, H, W = z.shape
    zt = jnp.transpose(z, (0, 2, 3, 1))
    z_flat = zt.reshape(-1, CODEBOOK_DIM)
    N = z_flat.shape[0]
    # dequeue_and_enqueue with ptr=0 (no-grad buffer update)
    queue_new = jax.lax.stop_gradient(queue.at[0:N, :].set(jax.lax.stop_gradient(z_flat)))
    emb_sg = jax.lax.stop_gradient(emb_weight)
    d = (jnp.sum(z_flat ** 2, axis=1, keepdims=True)
         + jnp.sum(emb_sg ** 2, axis=1)
         - 2.0 * jnp.einsum('bd,nd->bn', z_flat, emb_sg))
    token = jnp.argmin(d, axis=1)
    z_q = jnp.take(emb_weight, token, axis=0).reshape(zt.shape)
    w_loss = _calc_wasserstein_loss(queue_new, emb_weight)
    mse1 = jnp.mean((jax.lax.stop_gradient(z_q) - zt) ** 2)
    mse2 = jnp.mean((z_q - jax.lax.stop_gradient(zt)) ** 2)
    loss = BETA * mse1 + ALPHA * mse2 + GAMMA * w_loss
    z_q_st = zt + jax.lax.stop_gradient(z_q - zt)
    quant_error = jnp.mean(jnp.sum(jax.lax.stop_gradient((z_q - zt)) ** 2, axis=3))
    hist = jnp.bincount(token, minlength=CODEBOOK_SIZE, length=CODEBOOK_SIZE).astype(jnp.float32)
    codebook_usage_counts = jnp.sum((hist > 0).astype(jnp.float32))
    codebook_utilization = codebook_usage_counts / CODEBOOK_SIZE
    avg_probs = hist / jnp.sum(hist)
    codebook_perplexity = jnp.exp(-jnp.sum(avg_probs * jnp.log(avg_probs + 1e-10)))
    zq_out = jnp.transpose(z_q_st, (0, 3, 1, 2))
    return (zq_out, loss, w_loss, quant_error, codebook_utilization, codebook_perplexity)

if __name__ == "__main__":
    import jax
    _d = setup_inputs()
    print(jax.jit(kernel)(*tuple(_d.values())))

</pallas_src>

<mosaic_0001>
#map = affine_map<(d0, d1) -> (0, 0)>
#map1 = affine_map<(d0, d1) -> (0)>
module attributes {stable_mosaic.version = 14 : i64} {
  func.func @_sc_body(%arg0: i32, %arg1: i32, %arg2: memref<8192x256xf32, #tpu.memory_space<hbm>>, %arg3: memref<16384xi32, #tpu.memory_space<hbm>>, %arg4: memref<16384x256xf32, #tpu.memory_space<hbm>>, %arg5: memref<4x128xi32, #tpu.memory_space<vmem>>, %arg6: memref<128x256xf32, #tpu.memory_space<vmem>>, %arg7: memref<!tpu.dma_semaphore, #tpu.memory_space<semaphore_mem>>) attributes {dimension_semantics = [#tpu.dimension_semantics<core_parallel>, #tpu.dimension_semantics<subcore_parallel>], iteration_bounds = array<i64: 2, 16>, scalar_prefetch = 0 : i64, scratch_operands = 3 : i64, tpu.core_type = #tpu.core_type<sc_vector_subcore>, window_params = [{transform_indices = #map}, {transform_indices = #map1}, {transform_indices = #map}]} {
    %mul3A = arith.constant 16 : i32
    %mul3A_0 = arith.muli %arg0, %mul3A : i32
    %add3A = arith.addi %mul3A_0, %arg1 : i32
    %mul3A_1 = arith.constant 512 : i32
    %mul3A_2 = arith.muli %add3A, %mul3A_1 : i32
    %add3A_3 = arith.constant 0 : i32
    %add3A_4 = arith.addi %mul3A_2, %add3A_3 : i32
    %run_scoped3A = arith.constant 0 : i32
    "tpu.region"() ({
      %run_scoped3A_76 = tpu.sem_alloc : memref<!tpu.dma_semaphore, #tpu.memory_space<semaphore_mem>>
      %dma_start3A_77 = arith.constant 0 : i32
      %dma_start3A_78 = tpu.memref_slice %arg5[%run_scoped3A, %dma_start3A_77] : memref<4x128xi32, #tpu.memory_space<vmem>> -> memref<1x128xi32, #tpu.memory_space<vmem>>
      %dma_start3A_79 = tpu.memref_squeeze %dma_start3A_78 : memref<1x128xi32, #tpu.memory_space<vmem>> -> memref<128xi32, #tpu.memory_space<vmem>>
      %dma_start3A_80 = tpu.memref_slice %arg3[%add3A_4] : memref<16384xi32, #tpu.memory_space<hbm>> -> memref<128xi32, #tpu.memory_space<hbm>>
      %dma_start3A_81 = arith.constant 0 : i32
      %dma_start3A_82 = tpu.memref_slice %arg5[%run_scoped3A, %dma_start3A_81] : memref<4x128xi32, #tpu.memory_space<vmem>> -> memref<1x128xi32, #tpu.memory_space<vmem>>
      %dma_start3A_83 = tpu.memref_squeeze %dma_start3A_82 : memref<1x128xi32, #tpu.memory_space<vmem>> -> memref<128xi32, #tpu.memory_space<vmem>>
      %dma_start3A_84 = tpu.memref_slice %arg3[%add3A_4] : memref<16384xi32, #tpu.memory_space<hbm>> -> memref<128xi32, #tpu.memory_space<hbm>>
      tpu.enqueue_dma source(%dma_start3A_84 : memref<128xi32, #tpu.memory_space<hbm>>) target(%dma_start3A_83 : memref<128xi32, #tpu.memory_space<vmem>>) target_semaphore(%run_scoped3A_76 : memref<!tpu.dma_semaphore, #tpu.memory_space<semaphore_mem>>)
      %dma_wait3A_85 = arith.constant 0 : i32
      %dma_wait3A_86 = tpu.memref_slice %arg5[%run_scoped3A, %dma_wait3A_85] : memref<4x128xi32, #tpu.memory_space<vmem>> -> memref<1x128xi32, #tpu.memory_space<vmem>>
      %dma_wait3A_87 = tpu.memref_squeeze %dma_wait3A_86 : memref<1x128xi32, #tpu.memory_space<vmem>> -> memref<128xi32, #tpu.memory_space<vmem>>
      %dma_wait3A_88 = tpu.memref_slice %arg3[%add3A_4] : memref<16384xi32, #tpu.memory_space<hbm>> -> memref<128xi32, #tpu.memory_space<hbm>>
      %dma_wait3A_89 = arith.constant 0 : i32
      %dma_wait3A_90 = tpu.memref_slice %arg5[%run_scoped3A, %dma_wait3A_89] : memref<4x128xi32, #tpu.memory_space<vmem>> -> memref<1x128xi32, #tpu.memory_space<vmem>>
      %dma_wait3A_91 = tpu.memref_squeeze %dma_wait3A_90 : memref<1x128xi32, #tpu.memory_space<vmem>> -> memref<128xi32, #tpu.memory_space<vmem>>
      %dma_wait3A_92 = tpu.memref_slice %arg3[%add3A_4] : memref<16384xi32, #tpu.memory_space<hbm>> -> memref<128xi32, #tpu.memory_space<hbm>>
      tpu.wait_dma2 semaphore(%run_scoped3A_76 : memref<!tpu.dma_semaphore, #tpu.memory_space<semaphore_mem>>) src(%dma_wait3A_92 : memref<128xi32, #tpu.memory_space<hbm>>) dst(%dma_wait3A_91 : memref<128xi32, #tpu.memory_space<vmem>>)
      tpu.yield
    }) : () -> ()
    %add3A_5 = arith.constant 128 : i32
    %add3A_6 = arith.addi %mul3A_2, %add3A_5 : i32
    %run_scoped3A_7 = arith.constant 1 : i32
    "tpu.region"() ({
      %run_scoped3A_76 = tpu.sem_alloc : memref<!tpu.dma_semaphore, #tpu.memory_space<semaphore_mem>>
      %dma_start3A_77 = arith.constant 0 : i32
      %dma_start3A_78 = tpu.memref_slice %arg5[%run_scoped3A_7, %dma_start3A_77] : memref<4x128xi32, #tpu.memory_space<vmem>> -> memref<1x128xi32, #tpu.memory_space<vmem>>
      %dma_start3A_79 = tpu.memref_squeeze %dma_start3A_78 : memref<1x128xi32, #tpu.memory_space<vmem>> -> memref<128xi32, #tpu.memory_space<vmem>>
      %dma_start3A_80 = tpu.memref_slice %arg3[%add3A_6] : memref<16384xi32, #tpu.memory_space<hbm>> -> memref<128xi32, #tpu.memory_space<hbm>>
      %dma_start3A_81 = arith.constant 0 : i32
      %dma_start3A_82 = tpu.memref_slice %arg5[%run_scoped3A_7, %dma_start3A_81] : memref<4x128xi32, #tpu.memory_space<vmem>> -> memref<1x128xi32, #tpu.memory_space<vmem>>
      %dma_start3A_83 = tpu.memref_squeeze %dma_start3A_82 : memref<1x128xi32, #tpu.memory_space<vmem>> -> memref<128xi32, #tpu.memory_space<vmem>>
      %dma_start3A_84 = tpu.memref_slice %arg3[%add3A_6] : memref<16384xi32, #tpu.memory_space<hbm>> -> memref<128xi32, #tpu.memory_space<hbm>>
      tpu.enqueue_dma source(%dma_start3A_84 : memref<128xi32, #tpu.memory_space<hbm>>) target(%dma_start3A_83 : memref<128xi32, #tpu.memory_space<vmem>>) target_semaphore(%run_scoped3A_76 : memref<!tpu.dma_semaphore, #tpu.memory_space<semaphore_mem>>)
      %dma_wait3A_85 = arith.constant 0 : i32
      %dma_wait3A_86 = tpu.memref_slice %arg5[%run_scoped3A_7, %dma_wait3A_85] : memref<4x128xi32, #tpu.memory_space<vmem>> -> memref<1x128xi32, #tpu.memory_space<vmem>>
      %dma_wait3A_87 = tpu.memref_squeeze %dma_wait3A_86 : memref<1x128xi32, #tpu.memory_space<vmem>> -> memref<128xi32, #tpu.memory_space<vmem>>
      %dma_wait3A_88 = tpu.memref_slice %arg3[%add3A_6] : memref<16384xi32, #tpu.memory_space<hbm>> -> memref<128xi32, #tpu.memory_space<hbm>>
      %dma_wait3A_89 = arith.constant 0 : i32
      %dma_wait3A_90 = tpu.memref_slice %arg5[%run_scoped3A_7, %dma_wait3A_89] : memref<4x128xi32, #tpu.memory_space<vmem>> -> memref<1x128xi32, #tpu.memory_space<vmem>>
      %dma_wait3A_91 = tpu.memref_squeeze %dma_wait3A_90 : memref<1x128xi32, #tpu.memory_space<vmem>> -> memref<128xi32, #tpu.memory_space<vmem>>
      %dma_wait3A_92 = tpu.memref_slice %arg3[%add3A_6] : memref<16384xi32, #tpu.memory_space<hbm>> -> memref<128xi32, #tpu.memory_space<hbm>>
      tpu.wait_dma2 semaphore(%run_scoped3A_76 : memref<!tpu.dma_semaphore, #tpu.memory_space<semaphore_mem>>) src(%dma_wait3A_92 : memref<128xi32, #tpu.memory_space<hbm>>) dst(%dma_wait3A_91 : memref<128xi32, #tpu.memory_space<vmem>>)
      tpu.yield
    }) : () -> ()
    %add3A_8 = arith.constant 256 : i32
    %add3A_9 = arith.addi %mul3A_2, %add3A_8 : i32
    %run_scoped3A_10 = arith.constant 2 : i32
    "tpu.region"() ({
      %run_scoped3A_76 = tpu.sem_alloc : memref<!tpu.dma_semaphore, #tpu.memory_space<semaphore_mem>>
      %dma_start3A_77 = arith.constant 0 : i32
      %dma_start3A_78 = tpu.memref_slice %arg5[%run_scoped3A_10, %dma_start3A_77] : memref<4x128xi32, #tpu.memory_space<vmem>> -> memref<1x128xi32, #tpu.memory_space<vmem>>
      %dma_start3A_79 = tpu.memref_squeeze %dma_start3A_78 : memref<1x128xi32, #tpu.memory_space<vmem>> -> memref<128xi32, #tpu.memory_space<vmem>>
      %dma_start3A_80 = tpu.memref_slice %arg3[%add3A_9] : memref<16384xi32, #tpu.memory_space<hbm>> -> memref<128xi32, #tpu.memory_space<hbm>>
      %dma_start3A_81 = arith.constant 0 : i32
      %dma_start3A_82 = tpu.memref_slice %arg5[%run_scoped3A_10, %dma_start3A_81] : memref<4x128xi32, #tpu.memory_space<vmem>> -> memref<1x128xi32, #tpu.memory_space<vmem>>
      %dma_start3A_83 = tpu.memref_squeeze %dma_start3A_82 : memref<1x128xi32, #tpu.memory_space<vmem>> -> memref<128xi32, #tpu.memory_space<vmem>>
      %dma_start3A_84 = tpu.memref_slice %arg3[%add3A_9] : memref<16384xi32, #tpu.memory_space<hbm>> -> memref<128xi32, #tpu.memory_space<hbm>>
      tpu.enqueue_dma source(%dma_start3A_84 : memref<128xi32, #tpu.memory_space<hbm>>) target(%dma_start3A_83 : memref<128xi32, #tpu.memory_space<vmem>>) target_semaphore(%run_scoped3A_76 : memref<!tpu.dma_semaphore, #tpu.memory_space<semaphore_mem>>)
      %dma_wait3A_85 = arith.constant 0 : i32
      %dma_wait3A_86 = tpu.memref_slice %arg5[%run_scoped3A_10, %dma_wait3A_85] : memref<4x128xi32, #tpu.memory_space<vmem>> -> memref<1x128xi32, #tpu.memory_space<vmem>>
      %dma_wait3A_87 = tpu.memref_squeeze %dma_wait3A_86 : memref<1x128xi32, #tpu.memory_space<vmem>> -> memref<128xi32, #tpu.memory_space<vmem>>
      %dma_wait3A_88 = tpu.memref_slice %arg3[%add3A_9] : memref<16384xi32, #tpu.memory_space<hbm>> -> memref<128xi32, #tpu.memory_space<hbm>>
      %dma_wait3A_89 = arith.constant 0 : i32
      %dma_wait3A_90 = tpu.memref_slice %arg5[%run_scoped3A_10, %dma_wait3A_89] : memref<4x128xi32, #tpu.memory_space<vmem>> -> memref<1x128xi32, #tpu.memory_space<vmem>>
      %dma_wait3A_91 = tpu.memref_squeeze %dma_wait3A_90 : memref<1x128xi32, #tpu.memory_space<vmem>> -> memref<128xi32, #tpu.memory_space<vmem>>
      %dma_wait3A_92 = tpu.memref_slice %arg3[%add3A_9] : memref<16384xi32, #tpu.memory_space<hbm>> -> memref<128xi32, #tpu.memory_space<hbm>>
      tpu.wait_dma2 semaphore(%run_scoped3A_76 : memref<!tpu.dma_semaphore, #tpu.memory_space<semaphore_mem>>) src(%dma_wait3A_92 : memref<128xi32, #tpu.memory_space<hbm>>) dst(%dma_wait3A_91 : memref<128xi32, #tpu.memory_space<vmem>>)
      tpu.yield
    }) : () -> ()
    %add3A_11 = arith.constant 384 : i32
    %add3A_12 = arith.addi %mul3A_2, %add3A_11 : i32
    %run_scoped3A_13 = arith.constant 3 : i32
    "tpu.region"() ({
      %run_scoped3A_76 = tpu.sem_alloc : memref<!tpu.dma_semaphore, #tpu.memory_space<semaphore_mem>>
      %dma_start3A_77 = arith.constant 0 : i32
      %dma_start3A_78 = tpu.memref_slice %arg5[%run_scoped3A_13, %dma_start3A_77] : memref<4x128xi32, #tpu.memory_space<vmem>> -> memref<1x128xi32, #tpu.memory_space<vmem>>
      %dma_start3A_79 = tpu.memref_squeeze %dma_start3A_78 : memref<1x128xi32, #tpu.memory_space<vmem>> -> memref<128xi32, #tpu.memory_space<vmem>>
      %dma_start3A_80 = tpu.memref_slice %arg3[%add3A_12] : memref<16384xi32, #tpu.memory_space<hbm>> -> memref<128xi32, #tpu.memory_space<hbm>>
      %dma_start3A_81 = arith.constant 0 : i32
      %dma_start3A_82 = tpu.memref_slice %arg5[%run_scoped3A_13, %dma_start3A_81] : memref<4x128xi32, #tpu.memory_space<vmem>> -> memref<1x128xi32, #tpu.memory_space<vmem>>
      %dma_start3A_83 = tpu.memref_squeeze %dma_start3A_82 : memref<1x128xi32, #tpu.memory_space<vmem>> -> memref<128xi32, #tpu.memory_space<vmem>>
      %dma_start3A_84 = tpu.memref_slice %arg3[%add3A_12] : memref<16384xi32, #tpu.memory_space<hbm>> -> memref<128xi32, #tpu.memory_space<hbm>>
      tpu.enqueue_dma source(%dma_start3A_84 : memref<128xi32, #tpu.memory_space<hbm>>) target(%dma_start3A_83 : memref<128xi32, #tpu.memory_space<vmem>>) target_semaphore(%run_scoped3A_76 : memref<!tpu.dma_semaphore, #tpu.memory_space<semaphore_mem>>)
      %dma_wait3A_85 = arith.constant 0 : i32
      %dma_wait3A_86 = tpu.memref_slice %arg5[%run_scoped3A_13, %dma_wait3A_85] : memref<4x128xi32, #tpu.memory_space<vmem>> -> memref<1x128xi32, #tpu.memory_space<vmem>>
      %dma_wait3A_87 = tpu.memref_squeeze %dma_wait3A_86 : memref<1x128xi32, #tpu.memory_space<vmem>> -> memref<128xi32, #tpu.memory_space<vmem>>
      %dma_wait3A_88 = tpu.memref_slice %arg3[%add3A_12] : memref<16384xi32, #tpu.memory_space<hbm>> -> memref<128xi32, #tpu.memory_space<hbm>>
      %dma_wait3A_89 = arith.constant 0 : i32
      %dma_wait3A_90 = tpu.memref_slice %arg5[%run_scoped3A_13, %dma_wait3A_89] : memref<4x128xi32, #tpu.memory_space<vmem>> -> memref<1x128xi32, #tpu.memory_space<vmem>>
      %dma_wait3A_91 = tpu.memref_squeeze %dma_wait3A_90 : memref<1x128xi32, #tpu.memory_space<vmem>> -> memref<128xi32, #tpu.memory_space<vmem>>
      %dma_wait3A_92 = tpu.memref_slice %arg3[%add3A_12] : memref<16384xi32, #tpu.memory_space<hbm>> -> memref<128xi32, #tpu.memory_space<hbm>>
      tpu.wait_dma2 semaphore(%run_scoped3A_76 : memref<!tpu.dma_semaphore, #tpu.memory_space<semaphore_mem>>) src(%dma_wait3A_92 : memref<128xi32, #tpu.memory_space<hbm>>) dst(%dma_wait3A_91 : memref<128xi32, #tpu.memory_space<vmem>>)
      tpu.yield
    }) : () -> ()
    %dma_start3A = arith.constant 0 : i32
    %dma_start3A_14 = arith.constant 0 : i32
    %dma_start3A_15 = tpu.memref_slice %arg5[%dma_start3A, %dma_start3A_14] : memref<4x128xi32, #tpu.memory_space<vmem>> -> memref<1x128xi32, #tpu.memory_space<vmem>>
    %dma_start3A_16 = tpu.memref_squeeze %dma_start3A_15 : memref<1x128xi32, #tpu.memory_space<vmem>> -> memref<128xi32, #tpu.memory_space<vmem>>
    %dma_start3A_17 = arith.constant 0 : i32
    %dma_start3A_18 = arith.constant 0 : i32
    %dma_start3A_19 = tpu.memref_slice %arg2[%dma_start3A_17, %dma_start3A_18] : memref<8192x256xf32, #tpu.memory_space<hbm>> -> memref<8192x256xf32, #tpu.memory_space<hbm>>
    tpu.enqueue_indirect_dma source(%dma_start3A_19 : memref<8192x256xf32, #tpu.memory_space<hbm>>) target(%arg6 : memref<128x256xf32, #tpu.memory_space<vmem>>) offsets(%dma_start3A_16 : memref<128xi32, #tpu.memory_space<vmem>>) semaphore(%arg7 : memref<!tpu.dma_semaphore, #tpu.memory_space<semaphore_mem>>)
    %dma_wait3A = arith.constant 0 : i32
    %dma_wait3A_20 = arith.constant 0 : i32
    %dma_wait3A_21 = tpu.memref_slice %arg5[%dma_wait3A, %dma_wait3A_20] : memref<4x128xi32, #tpu.memory_space<vmem>> -> memref<1x128xi32, #tpu.memory_space<vmem>>
    %dma_wait3A_22 = tpu.memref_squeeze %dma_wait3A_21 : memref<1x128xi32, #tpu.memory_space<vmem>> -> memref<128xi32, #tpu.memory_space<vmem>>
    %dma_wait3A_23 = arith.constant 0 : i32
    %dma_wait3A_24 = arith.constant 0 : i32
    %dma_wait3A_25 = tpu.memref_slice %arg2[%dma_wait3A_23, %dma_wait3A_24] : memref<8192x256xf32, #tpu.memory_space<hbm>> -> memref<8192x256xf32, #tpu.memory_space<hbm>>
    tpu.wait_indirect_dma semaphore(%arg7 : memref<!tpu.dma_semaphore, #tpu.memory_space<semaphore_mem>>) src(%dma_wait3A_25 : memref<8192x256xf32, #tpu.memory_space<hbm>>) dst(%arg6 : memref<128x256xf32, #tpu.memory_space<vmem>>)
    %add3A_26 = arith.constant 0 : i32
    %add3A_27 = arith.addi %mul3A_2, %add3A_26 : i32
    "tpu.region"() ({
      %run_scoped3A_76 = tpu.sem_alloc : memref<!tpu.dma_semaphore, #tpu.memory_space<semaphore_mem>>
      %dma_start3A_77 = arith.constant 0 : i32
      %dma_start3A_78 = tpu.memref_slice %arg4[%add3A_27, %dma_start3A_77] : memref<16384x256xf32, #tpu.memory_space<hbm>> -> memref<128x256xf32, #tpu.memory_space<hbm>>
      %dma_start3A_79 = arith.constant 0 : i32
      %dma_start3A_80 = tpu.memref_slice %arg4[%add3A_27, %dma_start3A_79] : memref<16384x256xf32, #tpu.memory_space<hbm>> -> memref<128x256xf32, #tpu.memory_space<hbm>>
      tpu.enqueue_dma source(%arg6 : memref<128x256xf32, #tpu.memory_space<vmem>>) target(%dma_start3A_80 : memref<128x256xf32, #tpu.memory_space<hbm>>) target_semaphore(%run_scoped3A_76 : memref<!tpu.dma_semaphore, #tpu.memory_space<semaphore_mem>>)
      %dma_wait3A_81 = arith.constant 0 : i32
      %dma_wait3A_82 = tpu.memref_slice %arg4[%add3A_27, %dma_wait3A_81] : memref<16384x256xf32, #tpu.memory_space<hbm>> -> memref<128x256xf32, #tpu.memory_space<hbm>>
      %dma_wait3A_83 = arith.constant 0 : i32
      %dma_wait3A_84 = tpu.memref_slice %arg4[%add3A_27, %dma_wait3A_83] : memref<16384x256xf32, #tpu.memory_space<hbm>> -> memref<128x256xf32, #tpu.memory_space<hbm>>
      tpu.wait_dma2 semaphore(%run_scoped3A_76 : memref<!tpu.dma_semaphore, #tpu.memory_space<semaphore_mem>>) src(%arg6 : memref<128x256xf32, #tpu.memory_space<vmem>>) dst(%dma_wait3A_84 : memref<128x256xf32, #tpu.memory_space<hbm>>)
      tpu.yield
    }) : () -> ()
    %dma_start3A_28 = arith.constant 1 : i32
    %dma_start3A_29 = arith.constant 0 : i32
    %dma_start3A_30 = tpu.memref_slice %arg5[%dma_start3A_28, %dma_start3A_29] : memref<4x128xi32, #tpu.memory_space<vmem>> -> memref<1x128xi32, #tpu.memory_space<vmem>>
    %dma_start3A_31 = tpu.memref_squeeze %dma_start3A_30 : memref<1x128xi32, #tpu.memory_space<vmem>> -> memref<128xi32, #tpu.memory_space<vmem>>
    %dma_start3A_32 = arith.constant 0 : i32
    %dma_start3A_33 = arith.constant 0 : i32
    %dma_start3A_34 = tpu.memref_slice %arg2[%dma_start3A_32, %dma_start3A_33] : memref<8192x256xf32, #tpu.memory_space<hbm>> -> memref<8192x256xf32, #tpu.memory_space<hbm>>
    tpu.enqueue_indirect_dma source(%dma_start3A_34 : memref<8192x256xf32, #tpu.memory_space<hbm>>) target(%arg6 : memref<128x256xf32, #tpu.memory_space<vmem>>) offsets(%dma_start3A_31 : memref<128xi32, #tpu.memory_space<vmem>>) semaphore(%arg7 : memref<!tpu.dma_semaphore, #tpu.memory_space<semaphore_mem>>)
    %dma_wait3A_35 = arith.constant 1 : i32
    %dma_wait3A_36 = arith.constant 0 : i32
    %dma_wait3A_37 = tpu.memref_slice %arg5[%dma_wait3A_35, %dma_wait3A_36] : memref<4x128xi32, #tpu.memory_space<vmem>> -> memref<1x128xi32, #tpu.memory_space<vmem>>
    %dma_wait3A_38 = tpu.memref_squeeze %dma_wait3A_37 : memref<1x128xi32, #tpu.memory_space<vmem>> -> memref<128xi32, #tpu.memory_space<vmem>>
    %dma_wait3A_39 = arith.constant 0 : i32
    %dma_wait3A_40 = arith.constant 0 : i32
    %dma_wait3A_41 = tpu.memref_slice %arg2[%dma_wait3A_39, %dma_wait3A_40] : memref<8192x256xf32, #tpu.memory_space<hbm>> -> memref<8192x256xf32, #tpu.memory_space<hbm>>
    tpu.wait_indirect_dma semaphore(%arg7 : memref<!tpu.dma_semaphore, #tpu.memory_space<semaphore_mem>>) src(%dma_wait3A_41 : memref<8192x256xf32, #tpu.memory_space<hbm>>) dst(%arg6 : memref<128x256xf32, #tpu.memory_space<vmem>>)
    %add3A_42 = arith.constant 128 : i32
    %add3A_43 = arith.addi %mul3A_2, %add3A_42 : i32
    "tpu.region"() ({
      %run_scoped3A_76 = tpu.sem_alloc : memref<!tpu.dma_semaphore, #tpu.memory_space<semaphore_mem>>
      %dma_start3A_77 = arith.constant 0 : i32
      %dma_start3A_78 = tpu.memref_slice %arg4[%add3A_43, %dma_start3A_77] : memref<16384x256xf32, #tpu.memory_space<hbm>> -> memref<128x256xf32, #tpu.memory_space<hbm>>
      %dma_start3A_79 = arith.constant 0 : i32
      %dma_start3A_80 = tpu.memref_slice %arg4[%add3A_43, %dma_start3A_79] : memref<16384x256xf32, #tpu.memory_space<hbm>> -> memref<128x256xf32, #tpu.memory_space<hbm>>
      tpu.enqueue_dma source(%arg6 : memref<128x256xf32, #tpu.memory_space<vmem>>) target(%dma_start3A_80 : memref<128x256xf32, #tpu.memory_space<hbm>>) target_semaphore(%run_scoped3A_76 : memref<!tpu.dma_semaphore, #tpu.memory_space<semaphore_mem>>)
      %dma_wait3A_81 = arith.constant 0 : i32
      %dma_wait3A_82 = tpu.memref_slice %arg4[%add3A_43, %dma_wait3A_81] : memref<16384x256xf32, #tpu.memory_space<hbm>> -> memref<128x256xf32, #tpu.memory_space<hbm>>
      %dma_wait3A_83 = arith.constant 0 : i32
      %dma_wait3A_84 = tpu.memref_slice %arg4[%add3A_43, %dma_wait3A_83] : memref<16384x256xf32, #tpu.memory_space<hbm>> -> memref<128x256xf32, #tpu.memory_space<hbm>>
      tpu.wait_dma2 semaphore(%run_scoped3A_76 : memref<!tpu.dma_semaphore, #tpu.memory_space<semaphore_mem>>) src(%arg6 : memref<128x256xf32, #tpu.memory_space<vmem>>) dst(%dma_wait3A_84 : memref<128x256xf32, #tpu.memory_space<hbm>>)
      tpu.yield
    }) : () -> ()
    %dma_start3A_44 = arith.constant 2 : i32
    %dma_start3A_45 = arith.constant 0 : i32
    %dma_start3A_46 = tpu.memref_slice %arg5[%dma_start3A_44, %dma_start3A_45] : memref<4x128xi32, #tpu.memory_space<vmem>> -> memref<1x128xi32, #tpu.memory_space<vmem>>
    %dma_start3A_47 = tpu.memref_squeeze %dma_start3A_46 : memref<1x128xi32, #tpu.memory_space<vmem>> -> memref<128xi32, #tpu.memory_space<vmem>>
    %dma_start3A_48 = arith.constant 0 : i32
    %dma_start3A_49 = arith.constant 0 : i32
    %dma_start3A_50 = tpu.memref_slice %arg2[%dma_start3A_48, %dma_start3A_49] : memref<8192x256xf32, #tpu.memory_space<hbm>> -> memref<8192x256xf32, #tpu.memory_space<hbm>>
    tpu.enqueue_indirect_dma source(%dma_start3A_50 : memref<8192x256xf32, #tpu.memory_space<hbm>>) target(%arg6 : memref<128x256xf32, #tpu.memory_space<vmem>>) offsets(%dma_start3A_47 : memref<128xi32, #tpu.memory_space<vmem>>) semaphore(%arg7 : memref<!tpu.dma_semaphore, #tpu.memory_space<semaphore_mem>>)
    %dma_wait3A_51 = arith.constant 2 : i32
    %dma_wait3A_52 = arith.constant 0 : i32
    %dma_wait3A_53 = tpu.memref_slice %arg5[%dma_wait3A_51, %dma_wait3A_52] : memref<4x128xi32, #tpu.memory_space<vmem>> -> memref<1x128xi32, #tpu.memory_space<vmem>>
    %dma_wait3A_54 = tpu.memref_squeeze %dma_wait3A_53 : memref<1x128xi32, #tpu.memory_space<vmem>> -> memref<128xi32, #tpu.memory_space<vmem>>
    %dma_wait3A_55 = arith.constant 0 : i32
    %dma_wait3A_56 = arith.constant 0 : i32
    %dma_wait3A_57 = tpu.memref_slice %arg2[%dma_wait3A_55, %dma_wait3A_56] : memref<8192x256xf32, #tpu.memory_space<hbm>> -> memref<8192x256xf32, #tpu.memory_space<hbm>>
    tpu.wait_indirect_dma semaphore(%arg7 : memref<!tpu.dma_semaphore, #tpu.memory_space<semaphore_mem>>) src(%dma_wait3A_57 : memref<8192x256xf32, #tpu.memory_space<hbm>>) dst(%arg6 : memref<128x256xf32, #tpu.memory_space<vmem>>)
    %add3A_58 = arith.constant 256 : i32
    %add3A_59 = arith.addi %mul3A_2, %add3A_58 : i32
    "tpu.region"() ({
      %run_scoped3A_76 = tpu.sem_alloc : memref<!tpu.dma_semaphore, #tpu.memory_space<semaphore_mem>>
      %dma_start3A_77 = arith.constant 0 : i32
      %dma_start3A_78 = tpu.memref_slice %arg4[%add3A_59, %dma_start3A_77] : memref<16384x256xf32, #tpu.memory_space<hbm>> -> memref<128x256xf32, #tpu.memory_space<hbm>>
      %dma_start3A_79 = arith.constant 0 : i32
      %dma_start3A_80 = tpu.memref_slice %arg4[%add3A_59, %dma_start3A_79] : memref<16384x256xf32, #tpu.memory_space<hbm>> -> memref<128x256xf32, #tpu.memory_space<hbm>>
      tpu.enqueue_dma source(%arg6 : memref<128x256xf32, #tpu.memory_space<vmem>>) target(%dma_start3A_80 : memref<128x256xf32, #tpu.memory_space<hbm>>) target_semaphore(%run_scoped3A_76 : memref<!tpu.dma_semaphore, #tpu.memory_space<semaphore_mem>>)
      %dma_wait3A_81 = arith.constant 0 : i32
      %dma_wait3A_82 = tpu.memref_slice %arg4[%add3A_59, %dma_wait3A_81] : memref<16384x256xf32, #tpu.memory_space<hbm>> -> memref<128x256xf32, #tpu.memory_space<hbm>>
      %dma_wait3A_83 = arith.constant 0 : i32
      %dma_wait3A_84 = tpu.memref_slice %arg4[%add3A_59, %dma_wait3A_83] : memref<16384x256xf32, #tpu.memory_space<hbm>> -> memref<128x256xf32, #tpu.memory_space<hbm>>
      tpu.wait_dma2 semaphore(%run_scoped3A_76 : memref<!tpu.dma_semaphore, #tpu.memory_space<semaphore_mem>>) src(%arg6 : memref<128x256xf32, #tpu.memory_space<vmem>>) dst(%dma_wait3A_84 : memref<128x256xf32, #tpu.memory_space<hbm>>)
      tpu.yield
    }) : () -> ()
    %dma_start3A_60 = arith.constant 3 : i32
    %dma_start3A_61 = arith.constant 0 : i32
    %dma_start3A_62 = tpu.memref_slice %arg5[%dma_start3A_60, %dma_start3A_61] : memref<4x128xi32, #tpu.memory_space<vmem>> -> memref<1x128xi32, #tpu.memory_space<vmem>>
    %dma_start3A_63 = tpu.memref_squeeze %dma_start3A_62 : memref<1x128xi32, #tpu.memory_space<vmem>> -> memref<128xi32, #tpu.memory_space<vmem>>
    %dma_start3A_64 = arith.constant 0 : i32
    %dma_start3A_65 = arith.constant 0 : i32
    %dma_start3A_66 = tpu.memref_slice %arg2[%dma_start3A_64, %dma_start3A_65] : memref<8192x256xf32, #tpu.memory_space<hbm>> -> memref<8192x256xf32, #tpu.memory_space<hbm>>
    tpu.enqueue_indirect_dma source(%dma_start3A_66 : memref<8192x256xf32, #tpu.memory_space<hbm>>) target(%arg6 : memref<128x256xf32, #tpu.memory_space<vmem>>) offsets(%dma_start3A_63 : memref<128xi32, #tpu.memory_space<vmem>>) semaphore(%arg7 : memref<!tpu.dma_semaphore, #tpu.memory_space<semaphore_mem>>)
    %dma_wait3A_67 = arith.constant 3 : i32
    %dma_wait3A_68 = arith.constant 0 : i32
    %dma_wait3A_69 = tpu.memref_slice %arg5[%dma_wait3A_67, %dma_wait3A_68] : memref<4x128xi32, #tpu.memory_space<vmem>> -> memref<1x128xi32, #tpu.memory_space<vmem>>
    %dma_wait3A_70 = tpu.memref_squeeze %dma_wait3A_69 : memref<1x128xi32, #tpu.memory_space<vmem>> -> memref<128xi32, #tpu.memory_space<vmem>>
    %dma_wait3A_71 = arith.constant 0 : i32
    %dma_wait3A_72 = arith.constant 0 : i32
    %dma_wait3A_73 = tpu.memref_slice %arg2[%dma_wait3A_71, %dma_wait3A_72] : memref<8192x256xf32, #tpu.memory_space<hbm>> -> memref<8192x256xf32, #tpu.memory_space<hbm>>
    tpu.wait_indirect_dma semaphore(%arg7 : memref<!tpu.dma_semaphore, #tpu.memory_space<semaphore_mem>>) src(%dma_wait3A_73 : memref<8192x256xf32, #tpu.memory_space<hbm>>) dst(%arg6 : memref<128x256xf32, #tpu.memory_space<vmem>>)
    %add3A_74 = arith.constant 384 : i32
    %add3A_75 = arith.addi %mul3A_2, %add3A_74 : i32
    "tpu.region"() ({
      %run_scoped3A_76 = tpu.sem_alloc : memref<!tpu.dma_semaphore, #tpu.memory_space<semaphore_mem>>
      %dma_start3A_77 = arith.constant 0 : i32
      %dma_start3A_78 = tpu.memref_slice %arg4[%add3A_75, %dma_start3A_77] : memref<16384x256xf32, #tpu.memory_space<hbm>> -> memref<128x256xf32, #tpu.memory_space<hbm>>
      %dma_start3A_79 = arith.constant 0 : i32
      %dma_start3A_80 = tpu.memref_slice %arg4[%add3A_75, %dma_start3A_79] : memref<16384x256xf32, #tpu.memory_space<hbm>> -> memref<128x256xf32, #tpu.memory_space<hbm>>
      tpu.enqueue_dma source(%arg6 : memref<128x256xf32, #tpu.memory_space<vmem>>) target(%dma_start3A_80 : memref<128x256xf32, #tpu.memory_space<hbm>>) target_semaphore(%run_scoped3A_76 : memref<!tpu.dma_semaphore, #tpu.memory_space<semaphore_mem>>)
      %dma_wait3A_81 = arith.constant 0 : i32
      %dma_wait3A_82 = tpu.memref_slice %arg4[%add3A_75, %dma_wait3A_81] : memref<16384x256xf32, #tpu.memory_space<hbm>> -> memref<128x256xf32, #tpu.memory_space<hbm>>
      %dma_wait3A_83 = arith.constant 0 : i32
      %dma_wait3A_84 = tpu.memref_slice %arg4[%add3A_75, %dma_wait3A_83] : memref<16384x256xf32, #tpu.memory_space<hbm>> -> memref<128x256xf32, #tpu.memory_space<hbm>>
      tpu.wait_dma2 semaphore(%run_scoped3A_76 : memref<!tpu.dma_semaphore, #tpu.memory_space<semaphore_mem>>) src(%arg6 : memref<128x256xf32, #tpu.memory_space<vmem>>) dst(%dma_wait3A_84 : memref<128x256xf32, #tpu.memory_space<hbm>>)
      tpu.yield
    }) : () -> ()
    return
  }
}

module attributes {stable_mosaic.version = 14 : i64} {
  func.func @_k1a_body(%arg0: i32, %arg1: memref<256x256xf32, #tpu.memory_space<vmem>>, %arg2: memref<256x1xf32, #tpu.memory_space<vmem>>, %arg3: memref<8192x256xf32, #tpu.memory_space<vmem>>, %arg4: memref<1x8192xf32, #tpu.memory_space<vmem>>, %arg5: memref<256x8192xf32, #tpu.memory_space<vmem>>) attributes {dimension_semantics = [#tpu.dimension_semantics<arbitrary>], iteration_bounds = array<i64: 64>, scalar_prefetch = 0 : i64, scratch_operands = 0 : i64, tpu.core_type = #tpu.core_type<tc>, window_params = [{transform_indices = @transform_0, window_bounds = array<i64: 256, 256>}, {transform_indices = @transform_1, window_bounds = array<i64: 256, 1>}, {pipeline_mode = #tpu.pipeline_mode<synchronous>, transform_indices = @transform_2, window_bounds = array<i64: 8192, 256>}, {pipeline_mode = #tpu.pipeline_mode<synchronous>, transform_indices = @transform_3, window_bounds = array<i64: 1, 8192>}, {transform_indices = @transform_4, window_bounds = array<i64: 256, 8192>}]} {
    %get3A = arith.constant 0 : index
    %get3A_0 = arith.constant 0 : index
    %get3A_1 = vector.load %arg1[%get3A, %get3A_0] : memref<256x256xf32, #tpu.memory_space<vmem>>, vector<256x256xf32>
    %get3A_2 = arith.constant 0 : index
    %get3A_3 = arith.constant 0 : index
    %get3A_4 = vector.load %arg3[%get3A_2, %get3A_3] : memref<8192x256xf32, #tpu.memory_space<vmem>>, vector<8192x256xf32>
    %dot_general3A = arith.constant dense<0.000000e+00> : vector<256x8192xf32>
    %dot_general3A_5 = tpu.matmul %get3A_1, %get3A_4, %dot_general3A {dimension_numbers = #tpu.dot_dimension_numbers<[1], [1], [0], [0], [0, 0, 1, 0], [], []>, transpose_lhs_hint = false} : vector<256x256xf32>, vector<8192x256xf32>, vector<256x8192xf32> -> vector<256x8192xf32>
    %get3A_6 = arith.constant 0 : index
    %get3A_7 = arith.constant 0 : index
    %get3A_8 = vector.load %arg2[%get3A_6, %get3A_7] : memref<256x1xf32, #tpu.memory_space<vmem>>, vector<256x1xf32>
    %get3A_9 = arith.constant 0 : index
    %get3A_10 = arith.constant 0 : index
    %get3A_11 = vector.load %arg4[%get3A_9, %get3A_10] : memref<1x8192xf32, #tpu.memory_space<vmem>>, vector<1x8192xf32>
    %add3A = vector.broadcast %get3A_8 : vector<256x1xf32> to vector<256x8192xf32>
    %add3A_12 = vector.broadcast %get3A_11 : vector<1x8192xf32> to vector<256x8192xf32>
    %add3A_13 = arith.addf %add3A, %add3A_12 : vector<256x8192xf32>
    %mul3A = arith.constant 2.000000e+00 : f32
    %mul3A_14 = vector.broadcast %mul3A : f32 to vector<256x8192xf32>
    %mul3A_15 = arith.mulf %mul3A_14, %dot_general3A_5 : vector<256x8192xf32>
    %sub3A = arith.subf %add3A_13, %mul3A_15 : vector<256x8192xf32>
    %swap3A = arith.constant 0 : index
    %swap3A_16 = arith.constant 0 : index
    %swap3A_17 = vector.load %arg5[%swap3A, %swap3A_16] : memref<256x8192xf32, #tpu.memory_space<vmem>>, vector<256x8192xf32>
    tpu.vector_store %arg5[%swap3A, %swap3A_16], %sub3A {strides = array<i32>} : memref<256x8192xf32, #tpu.memory_space<vmem>>, vector<256x8192xf32>,
    return
  }
  func.func @transform_0(%arg0: i32) -> (i32, i32) {
    %c0_i32 = arith.constant 0 : i32
    %c0_i32_0 = arith.constant 0 : i32
    return %arg0, %c0_i32 : i32, i32
  }
  func.func @transform_1(%arg0: i32) -> (i32, i32) {
    %c0_i32 = arith.constant 0 : i32
    %c0_i32_0 = arith.constant 0 : i32
    return %arg0, %c0_i32 : i32, i32
  }
  func.func @transform_2(%arg0: i32) -> (i32, i32) {
    %c0_i32 = arith.constant 0 : i32
    %c0_i32_0 = arith.constant 0 : i32
    %c0_i32_1 = arith.constant 0 : i32
    return %c0_i32, %c0_i32_0 : i32, i32
  }
  func.func @transform_3(%arg0: i32) -> (i32, i32) {
    %c0_i32 = arith.constant 0 : i32
    %c0_i32_0 = arith.constant 0 : i32
    %c0_i32_1 = arith.constant 0 : i32
    return %c0_i32, %c0_i32_0 : i32, i32
  }
  func.func @transform_4(%arg0: i32) -> (i32, i32) {
    %c0_i32 = arith.constant 0 : i32
    %c0_i32_0 = arith.constant 0 : i32
    return %arg0, %c0_i32 : i32, i32
  }
}

module attributes {stable_mosaic.version = 14 : i64} {
  func.func @_k1b_body(%arg0: i32, %arg1: memref<256x8192xf32, #tpu.memory_space<vmem>>, %arg2: memref<1x1x256xi32, #tpu.memory_space<vmem>>) attributes {dimension_semantics = [#tpu.dimension_semantics<arbitrary>], iteration_bounds = array<i64: 64>, scalar_prefetch = 0 : i64, scratch_operands = 0 : i64, tpu.core_type = #tpu.core_type<tc>, window_params = [{transform_indices = @transform_0, window_bounds = array<i64: 256, 8192>}, {transform_indices = @transform_1, window_bounds = array<i64: 1, 1, 256>}]} {
    %get3A = arith.constant 0 : index
    %get3A_0 = arith.constant 0 : index
    %get3A_1 = vector.load %arg1[%get3A, %get3A_0] : memref<256x8192xf32, #tpu.memory_space<vmem>>, vector<256x8192xf32>
    %reduce_min3A = arith.constant dense<0x7F800000> : vector<256xf32>
    %reduce_min3A_2 = vector.multi_reduction <minimumf>, %get3A_1, %reduce_min3A [1] : vector<256x8192xf32> to vector<256xf32>
    %broadcast_in_dim3A = vector.shape_cast %reduce_min3A_2 : vector<256xf32> to vector<256x1xf32>
    %iota3A = tpu.iota {dimensions = array<i32: 1>} : vector<256x8192xi32>
    %eq3A = vector.broadcast %broadcast_in_dim3A : vector<256x1xf32> to vector<256x8192xf32>
    %eq3A_3 = arith.cmpf oeq, %get3A_1, %eq3A : vector<256x8192xf32>
    %jit3A = arith.constant 1073741824 : i32
    %broadcast_in_dim3A_4 = vector.broadcast %jit3A : i32 to vector<256x8192xi32>
    %select_n3A = arith.select %eq3A_3, %iota3A, %broadcast_in_dim3A_4 : vector<256x8192xi1>, vector<256x8192xi32>
    %reduce_min3A_5 = arith.constant dense<2147483647> : vector<256xi32>
    %reduce_min3A_6 = vector.multi_reduction <minsi>, %select_n3A, %reduce_min3A_5 [1] : vector<256x8192xi32> to vector<256xi32>
    %broadcast_in_dim3A_7 = vector.shape_cast %reduce_min3A_6 : vector<256xi32> to vector<1x1x256xi32>
    %swap3A = arith.constant 0 : index
    %swap3A_8 = arith.constant 0 : index
    %swap3A_9 = arith.constant 0 : index
    %swap3A_10 = vector.load %arg2[%swap3A, %swap3A_8, %swap3A_9] : memref<1x1x256xi32, #tpu.memory_space<vmem>>, vector<1x1x256xi32>
    tpu.vector_store %arg2[%swap3A, %swap3A_8, %swap3A_9], %broadcast_in_dim3A_7 {strides = array<i32>} : memref<1x1x256xi32, #tpu.memory_space<vmem>>, vector<1x1x256xi32>,
    return
  }
  func.func @transform_0(%arg0: i32) -> (i32, i32) {
    %c0_i32 = arith.constant 0 : i32
    %c0_i32_0 = arith.constant 0 : i32
    return %arg0, %c0_i32 : i32, i32
  }
  func.func @transform_1(%arg0: i32) -> (i32, i32, i32) {
    %c0_i32 = arith.constant 0 : i32
    %c0_i32_0 = arith.constant 0 : i32
    %c0_i32_1 = arith.constant 0 : i32
    return %arg0, %c0_i32, %c0_i32_0 : i32, i32, i32
  }
}

module attributes {stable_mosaic.version = 14 : i64} {
  func.func @_k3_body(%arg0: i32, %arg1: memref<4096x256xf32, #tpu.memory_space<vmem>>, %arg2: memref<4096x256xf32, #tpu.memory_space<vmem>>, %arg3: memref<4096x256xf32, #tpu.memory_space<vmem>>, %arg4: memref<256x256xf32, #tpu.memory_space<vmem>>, %arg5: memref<1x256xf32, #tpu.memory_space<vmem>>, %arg6: memref<256x256xf32, #tpu.memory_space<vmem>>, %arg7: memref<1x256xf32, #tpu.memory_space<vmem>>, %arg8: memref<256x256xf32, #tpu.memory_space<vmem>>, %arg9: memref<1x256xf32, #tpu.memory_space<vmem>>, %arg10: memref<256x256xf32, #tpu.memory_space<vmem>>, %arg11: memref<1x256xf32, #tpu.memory_space<vmem>>) attributes {dimension_semantics = [#tpu.dimension_semantics<arbitrary>], iteration_bounds = array<i64: 18>, scalar_prefetch = 0 : i64, scratch_operands = 4 : i64, tpu.core_type = #tpu.core_type<tc>, window_params = [{transform_indices = @transform_0, window_bounds = array<i64: 4096, 256>}, {transform_indices = @transform_1, window_bounds = array<i64: 4096, 256>}, {transform_indices = @transform_2, window_bounds = array<i64: 4096, 256>}, {pipeline_mode = #tpu.pipeline_mode<synchronous>, transform_indices = @transform_3, window_bounds = array<i64: 256, 256>}, {pipeline_mode = #tpu.pipeline_mode<synchronous>, transform_indices = @transform_4, window_bounds = array<i64: 1, 256>}, {pipeline_mode = #tpu.pipeline_mode<synchronous>, transform_indices = @transform_5, window_bounds = array<i64: 256, 256>}, {pipeline_mode = #tpu.pipeline_mode<synchronous>, transform_indices = @transform_6, window_bounds = array<i64: 1, 256>}]} {
    %eq3A = arith.constant 0 : i32
    %eq3A_0 = arith.cmpi eq, %arg0, %eq3A : i32
    %convert_element_type3A = arith.extui %eq3A_0 : i1 to i32
    %cond3A = arith.constant 0 : i32
    %cond3A_1 = arith.cmpi ne, %convert_element_type3A, %cond3A : i32
    scf.if %cond3A_1 {
      %broadcast_in_dim3A = arith.constant 0.000000e+00 : f32
      %broadcast_in_dim3A_15 = vector.broadcast %broadcast_in_dim3A : f32 to vector<256x256xf32>
      %swap3A = arith.constant 0 : index
      %swap3A_16 = arith.constant 0 : index
      %swap3A_17 = vector.load %arg8[%swap3A, %swap3A_16] : memref<256x256xf32, #tpu.memory_space<vmem>>, vector<256x256xf32>
      tpu.vector_store %arg8[%swap3A, %swap3A_16], %broadcast_in_dim3A_15 {strides = array<i32>} : memref<256x256xf32, #tpu.memory_space<vmem>>, vector<256x256xf32>,
      %broadcast_in_dim3A_18 = arith.constant 0.000000e+00 : f32
      %broadcast_in_dim3A_19 = vector.broadcast %broadcast_in_dim3A_18 : f32 to vector<1x256xf32>
      %swap3A_20 = arith.constant 0 : index
      %swap3A_21 = arith.constant 0 : index
      %swap3A_22 = vector.load %arg9[%swap3A_20, %swap3A_21] : memref<1x256xf32, #tpu.memory_space<vmem>>, vector<1x256xf32>
      tpu.vector_store %arg9[%swap3A_20, %swap3A_21], %broadcast_in_dim3A_19 {strides = array<i32>} : memref<1x256xf32, #tpu.memory_space<vmem>>, vector<1x256xf32>,
      %broadcast_in_dim3A_23 = arith.constant 0.000000e+00 : f32
      %broadcast_in_dim3A_24 = vector.broadcast %broadcast_in_dim3A_23 : f32 to vector<256x256xf32>
      %swap3A_25 = arith.constant 0 : index
      %swap3A_26 = arith.constant 0 : index
      %swap3A_27 = vector.load %arg10[%swap3A_25, %swap3A_26] : memref<256x256xf32, #tpu.memory_space<vmem>>, vector<256x256xf32>
      tpu.vector_store %arg10[%swap3A_25, %swap3A_26], %broadcast_in_dim3A_24 {strides = array<i32>} : memref<256x256xf32, #tpu.memory_space<vmem>>, vector<256x256xf32>,
      %broadcast_in_dim3A_28 = arith.constant 0.000000e+00 : f32
      %broadcast_in_dim3A_29 = vector.broadcast %broadcast_in_dim3A_28 : f32 to vector<1x256xf32>
      %swap3A_30 = arith.constant 0 : index
      %swap3A_31 = arith.constant 0 : index
      %swap3A_32 = vector.load %arg11[%swap3A_30, %swap3A_31] : memref<1x256xf32, #tpu.memory_space<vmem>>, vector<1x256xf32>
      tpu.vector_store %arg11[%swap3A_30, %swap3A_31], %broadcast_in_dim3A_29 {strides = array<i32>} : memref<1x256xf32, #tpu.memory_space<vmem>>, vector<1x256xf32>,
    } else {
    }
    %lt3A = arith.constant 16 : i32
    %lt3A_2 = arith.cmpi slt, %arg0, %lt3A : i32
    %convert_element_type3A_3 = arith.extui %lt3A_2 : i1 to i32
    %cond3A_4 = arith.constant 0 : i32
    %cond3A_5 = arith.cmpi ne, %convert_element_type3A_3, %cond3A_4 : i32
    scf.if %cond3A_5 {
      %lt3A_15 = arith.constant 4 : i32
      %lt3A_16 = arith.cmpi slt, %arg0, %lt3A_15 : i32
      %get3A = arith.constant 0 : index
      %get3A_17 = arith.constant 0 : index
      %get3A_18 = vector.load %arg1[%get3A, %get3A_17] : memref<4096x256xf32, #tpu.memory_space<vmem>>, vector<4096x256xf32>
      %get3A_19 = arith.constant 0 : index
      %get3A_20 = arith.constant 0 : index
      %get3A_21 = vector.load %arg2[%get3A_19, %get3A_20] : memref<4096x256xf32, #tpu.memory_space<vmem>>, vector<4096x256xf32>
      %select_n3A = arith.select %lt3A_16, %get3A_18, %get3A_21 : vector<4096x256xf32>
      %get3A_22 = arith.constant 0 : index
      %get3A_23 = arith.constant 0 : index
      %get3A_24 = vector.load %arg8[%get3A_22, %get3A_23] : memref<256x256xf32, #tpu.memory_space<vmem>>, vector<256x256xf32>
      %dot_general3A = arith.constant dense<0.000000e+00> : vector<256x256xf32>
      %dot_general3A_25 = tpu.matmul %select_n3A, %select_n3A, %dot_general3A {dimension_numbers = #tpu.dot_dimension_numbers<[0], [0], [1], [1], [0, 1, 1, 1], [], []>, transpose_lhs_hint = false} : vector<4096x256xf32>, vector<4096x256xf32>, vector<256x256xf32> -> vector<256x256xf32>
      %add3A = arith.addf %get3A_24, %dot_general3A_25 : vector<256x256xf32>
      %swap3A = arith.constant 0 : index
      %swap3A_26 = arith.constant 0 : index
      %swap3A_27 = vector.load %arg8[%swap3A, %swap3A_26] : memref<256x256xf32, #tpu.memory_space<vmem>>, vector<256x256xf32>
      tpu.vector_store %arg8[%swap3A, %swap3A_26], %add3A {strides = array<i32>} : memref<256x256xf32, #tpu.memory_space<vmem>>, vector<256x256xf32>,
      %get3A_28 = arith.constant 0 : index
      %get3A_29 = arith.constant 0 : index
      %get3A_30 = vector.load %arg9[%get3A_28, %get3A_29] : memref<1x256xf32, #tpu.memory_space<vmem>>, vector<1x256xf32>
      %reduce_sum3A = arith.constant dense<0.000000e+00> : vector<256xf32>
      %reduce_sum3A_31 = vector.multi_reduction <add>, %select_n3A, %reduce_sum3A [0] : vector<4096x256xf32> to vector<256xf32>
      %broadcast_in_dim3A = vector.shape_cast %reduce_sum3A_31 : vector<256xf32> to vector<1x256xf32>
      %add3A_32 = arith.addf %get3A_30, %broadcast_in_dim3A : vector<1x256xf32>
      %swap3A_33 = arith.constant 0 : index
      %swap3A_34 = arith.constant 0 : index
      %swap3A_35 = vector.load %arg9[%swap3A_33, %swap3A_34] : memref<1x256xf32, #tpu.memory_space<vmem>>, vector<1x256xf32>
      tpu.vector_store %arg9[%swap3A_33, %swap3A_34], %add3A_32 {strides = array<i32>} : memref<1x256xf32, #tpu.memory_space<vmem>>, vector<1x256xf32>,
    } else {
    }
    %ge3A = arith.constant 16 : i32
    %ge3A_6 = arith.cmpi sge, %arg0, %ge3A : i32
    %convert_element_type3A_7 = arith.extui %ge3A_6 : i1 to i32
    %cond3A_8 = arith.constant 0 : i32
    %cond3A_9 = arith.cmpi ne, %convert_element_type3A_7, %cond3A_8 : i32
    scf.if %cond3A_9 {
      %get3A = arith.constant 0 : index
      %get3A_15 = arith.constant 0 : index
      %get3A_16 = vector.load %arg3[%get3A, %get3A_15] : memref<4096x256xf32, #tpu.memory_space<vmem>>, vector<4096x256xf32>
      %get3A_17 = arith.constant 0 : index
      %get3A_18 = arith.constant 0 : index
      %get3A_19 = vector.load %arg10[%get3A_17, %get3A_18] : memref<256x256xf32, #tpu.memory_space<vmem>>, vector<256x256xf32>
      %dot_general3A = arith.constant dense<0.000000e+00> : vector<256x256xf32>
      %dot_general3A_20 = tpu.matmul %get3A_16, %get3A_16, %dot_general3A {dimension_numbers = #tpu.dot_dimension_numbers<[0], [0], [1], [1], [0, 1, 1, 1], [], []>, transpose_lhs_hint = false} : vector<4096x256xf32>, vector<4096x256xf32>, vector<256x256xf32> -> vector<256x256xf32>
      %add3A = arith.addf %get3A_19, %dot_general3A_20 : vector<256x256xf32>
      %swap3A = arith.constant 0 : index
      %swap3A_21 = arith.constant 0 : index
      %swap3A_22 = vector.load %arg10[%swap3A, %swap3A_21] : memref<256x256xf32, #tpu.memory_space<vmem>>, vector<256x256xf32>
      tpu.vector_store %arg10[%swap3A, %swap3A_21], %add3A {strides = array<i32>} : memref<256x256xf32, #tpu.memory_space<vmem>>, vector<256x256xf32>,
      %get3A_23 = arith.constant 0 : index
      %get3A_24 = arith.constant 0 : index
      %get3A_25 = vector.load %arg11[%get3A_23, %get3A_24] : memref<1x256xf32, #tpu.memory_space<vmem>>, vector<1x256xf32>
      %reduce_sum3A = arith.constant dense<0.000000e+00> : vector<256xf32>
      %reduce_sum3A_26 = vector.multi_reduction <add>, %get3A_16, %reduce_sum3A [0] : vector<4096x256xf32> to vector<256xf32>
      %broadcast_in_dim3A = vector.shape_cast %reduce_sum3A_26 : vector<256xf32> to vector<1x256xf32>
      %add3A_27 = arith.addf %get3A_25, %broadcast_in_dim3A : vector<1x256xf32>
      %swap3A_28 = arith.constant 0 : index
      %swap3A_29 = arith.constant 0 : index
      %swap3A_30 = vector.load %arg11[%swap3A_28, %swap3A_29] : memref<1x256xf32, #tpu.memory_space<vmem>>, vector<1x256xf32>
      tpu.vector_store %arg11[%swap3A_28, %swap3A_29], %add3A_27 {strides = array<i32>} : memref<1x256xf32, #tpu.memory_space<vmem>>, vector<1x256xf32>,
    } else {
    }
    %eq3A_10 = arith.constant 17 : i32
    %eq3A_11 = arith.cmpi eq, %arg0, %eq3A_10 : i32
    %convert_element_type3A_12 = arith.extui %eq3A_11 : i1 to i32
    %cond3A_13 = arith.constant 0 : i32
    %cond3A_14 = arith.cmpi ne, %convert_element_type3A_12, %cond3A_13 : i32
    scf.if %cond3A_14 {
      %get3A = arith.constant 0 : index
      %get3A_15 = arith.constant 0 : index
      %get3A_16 = vector.load %arg8[%get3A, %get3A_15] : memref<256x256xf32, #tpu.memory_space<vmem>>, vector<256x256xf32>
      %swap3A = arith.constant 0 : index
      %swap3A_17 = arith.constant 0 : index
      %swap3A_18 = vector.load %arg4[%swap3A, %swap3A_17] : memref<256x256xf32, #tpu.memory_space<vmem>>, vector<256x256xf32>
      tpu.vector_store %arg4[%swap3A, %swap3A_17], %get3A_16 {strides = array<i32>} : memref<256x256xf32, #tpu.memory_space<vmem>>, vector<256x256xf32>,
      %get3A_19 = arith.constant 0 : index
      %get3A_20 = arith.constant 0 : index
      %get3A_21 = vector.load %arg9[%get3A_19, %get3A_20] : memref<1x256xf32, #tpu.memory_space<vmem>>, vector<1x256xf32>
      %swap3A_22 = arith.constant 0 : index
      %swap3A_23 = arith.constant 0 : index
      %swap3A_24 = vector.load %arg5[%swap3A_22, %swap3A_23] : memref<1x256xf32, #tpu.memory_space<vmem>>, vector<1x256xf32>
      tpu.vector_store %arg5[%swap3A_22, %swap3A_23], %get3A_21 {strides = array<i32>} : memref<1x256xf32, #tpu.memory_space<vmem>>, vector<1x256xf32>,
      %get3A_25 = arith.constant 0 : index
      %get3A_26 = arith.constant 0 : index
      %get3A_27 = vector.load %arg10[%get3A_25, %get3A_26] : memref<256x256xf32, #tpu.memory_space<vmem>>, vector<256x256xf32>
      %swap3A_28 = arith.constant 0 : index
      %swap3A_29 = arith.constant 0 : index
      %swap3A_30 = vector.load %arg6[%swap3A_28, %swap3A_29] : memref<256x256xf32, #tpu.memory_space<vmem>>, vector<256x256xf32>
      tpu.vector_store %arg6[%swap3A_28, %swap3A_29], %get3A_27 {strides = array<i32>} : memref<256x256xf32, #tpu.memory_space<vmem>>, vector<256x256xf32>,
      %get3A_31 = arith.constant 0 : index
      %get3A_32 = arith.constant 0 : index
      %get3A_33 = vector.load %arg11[%get3A_31, %get3A_32] : memref<1x256xf32, #tpu.memory_space<vmem>>, vector<1x256xf32>
      %swap3A_34 = arith.constant 0 : index
      %swap3A_35 = arith.constant 0 : index
      %swap3A_36 = vector.load %arg7[%swap3A_34, %swap3A_35] : memref<1x256xf32, #tpu.memory_space<vmem>>, vector<1x256xf32>
      tpu.vector_store %arg7[%swap3A_34, %swap3A_35], %get3A_33 {strides = array<i32>} : memref<1x256xf32, #tpu.memory_space<vmem>>, vector<1x256xf32>,
    } else {
    }
    return
  }
  func.func @transform_0(%arg0: i32) -> (i32, i32) {
    %min3A = arith.constant 3 : i32
    %min3A_0 = arith.minsi %arg0, %min3A : i32
    %c0_i32 = arith.constant 0 : i32
    %c0_i32_1 = arith.constant 0 : i32
    return %min3A_0, %c0_i32 : i32, i32
  }
  func.func @transform_1(%arg0: i32) -> (i32, i32) {
    %jit3A = arith.constant 4 : i32
    %jit3A_0 = arith.constant 15 : i32
    %max3A = arith.maxsi %jit3A, %arg0 : i32
    %min3A = arith.minsi %jit3A_0, %max3A : i32
    %c0_i32 = arith.constant 0 : i32
    %c0_i32_1 = arith.constant 0 : i32
    return %min3A, %c0_i32 : i32, i32
  }
  func.func @transform_2(%arg0: i32) -> (i32, i32) {
    %sub3A = arith.constant 16 : i32
    %sub3A_0 = arith.subi %arg0, %sub3A : i32
    %jit3A = arith.constant 0 : i32
    %jit3A_1 = arith.constant 1 : i32
    %max3A = arith.maxsi %jit3A, %sub3A_0 : i32
    %min3A = arith.minsi %jit3A_1, %max3A : i32
    %c0_i32 = arith.constant 0 : i32
    %c0_i32_2 = arith.constant 0 : i32
    return %min3A, %c0_i32 : i32, i32
  }
  func.func @transform_3(%arg0: i32) -> (i32, i32) {
    %c0_i32 = arith.constant 0 : i32
    %c0_i32_0 = arith.constant 0 : i32
    %c0_i32_1 = arith.constant 0 : i32
    return %c0_i32, %c0_i32_0 : i32, i32
  }
  func.func @transform_4(%arg0: i32) -> (i32, i32) {
    %c0_i32 = arith.constant 0 : i32
    %c0_i32_0 = arith.constant 0 : i32
    %c0_i32_1 = arith.constant 0 : i32
    return %c0_i32, %c0_i32_0 : i32, i32
  }
  func.func @transform_5(%arg0: i32) -> (i32, i32) {
    %c0_i32 = arith.constant 0 : i32
    %c0_i32_0 = arith.constant 0 : i32
    %c0_i32_1 = arith.constant 0 : i32
    return %c0_i32, %c0_i32_0 : i32, i32
  }
  func.func @transform_6(%arg0: i32) -> (i32, i32) {
    %c0_i32 = arith.constant 0 : i32
    %c0_i32_0 = arith.constant 0 : i32
    %c0_i32_1 = arith.constant 0 : i32
    return %c0_i32, %c0_i32_0 : i32, i32
  }
}

module attributes {stable_mosaic.version = 14 : i64} {
  func.func @_k5_body(%arg0: i32, %arg1: memref<2048x256xf32, #tpu.memory_space<vmem>>, %arg2: memref<2048x256xf32, #tpu.memory_space<vmem>>, %arg3: memref<2048x1xi32, #tpu.memory_space<vmem>>, %arg4: memref<2048x256xf32, #tpu.memory_space<vmem>>, %arg5: memref<1x1xf32, #tpu.memory_space<vmem>>, %arg6: memref<1x8192xf32, #tpu.memory_space<vmem>>, %arg7: memref<1x1xf32, #tpu.memory_space<vmem>>, %arg8: memref<1x8192xf32, #tpu.memory_space<vmem>>) attributes {dimension_semantics = [#tpu.dimension_semantics<arbitrary>], iteration_bounds = array<i64: 8>, scalar_prefetch = 0 : i64, scratch_operands = 2 : i64, tpu.core_type = #tpu.core_type<tc>, window_params = [{transform_indices = @transform_0, window_bounds = array<i64: 2048, 256>}, {transform_indices = @transform_1, window_bounds = array<i64: 2048, 256>}, {transform_indices = @transform_2, window_bounds = array<i64: 2048, 1>}, {transform_indices = @transform_3, window_bounds = array<i64: 2048, 256>}, {pipeline_mode = #tpu.pipeline_mode<synchronous>, transform_indices = @transform_4, window_bounds = array<i64: 1, 1>}, {pipeline_mode = #tpu.pipeline_mode<synchronous>, transform_indices = @transform_5, window_bounds = array<i64: 1, 8192>}]} {
    %get3A = arith.constant 0 : index
    %get3A_0 = arith.constant 0 : index
    %get3A_1 = vector.load %arg1[%get3A, %get3A_0] : memref<2048x256xf32, #tpu.memory_space<vmem>>, vector<2048x256xf32>
    %get3A_2 = arith.constant 0 : index
    %get3A_3 = arith.constant 0 : index
    %get3A_4 = vector.load %arg2[%get3A_2, %get3A_3] : memref<2048x256xf32, #tpu.memory_space<vmem>>, vector<2048x256xf32>
    %sub3A = arith.subf %get3A_4, %get3A_1 : vector<2048x256xf32>
    %add3A = arith.addf %get3A_1, %sub3A : vector<2048x256xf32>
    %swap3A = arith.constant 0 : index
    %swap3A_5 = arith.constant 0 : index
    %swap3A_6 = vector.load %arg4[%swap3A, %swap3A_5] : memref<2048x256xf32, #tpu.memory_space<vmem>>, vector<2048x256xf32>
    tpu.vector_store %arg4[%swap3A, %swap3A_5], %add3A {strides = array<i32>} : memref<2048x256xf32, #tpu.memory_space<vmem>>, vector<2048x256xf32>,
    %mul3A = arith.mulf %sub3A, %sub3A : vector<2048x256xf32>
    %reduce_sum3A = vector.shape_cast %mul3A : vector<2048x256xf32> to vector<1x2048x256xf32>
    %reduce_sum3A_7 = arith.constant dense<0.000000e+00> : vector<1xf32>
    %reduce_sum3A_8 = vector.multi_reduction <add>, %reduce_sum3A, %reduce_sum3A_7 [1, 2] : vector<1x2048x256xf32> to vector<1xf32>
    %reduce_sum3A_9 = vector.shape_cast %reduce_sum3A_8 : vector<1xf32> to vector<1x1x1xf32>
    %reduce_sum3A_10 = vector.extract %reduce_sum3A_9[0, 0, 0] : f32 from vector<1x1x1xf32>
    %eq3A = arith.constant 0 : i32
    %eq3A_11 = arith.cmpi eq, %arg0, %eq3A : i32
    %convert_element_type3A = arith.extui %eq3A_11 : i1 to i32
    %cond3A = arith.constant 0 : i32
    %cond3A_12 = arith.cmpi ne, %convert_element_type3A, %cond3A : i32
    scf.if %cond3A_12 {
      %broadcast_in_dim3A_331 = arith.constant 0.000000e+00 : f32
      %broadcast_in_dim3A_332 = vector.broadcast %broadcast_in_dim3A_331 : f32 to vector<1x1xf32>
      %swap3A_333 = arith.constant 0 : index
      %swap3A_334 = arith.constant 0 : index
      %swap3A_335 = vector.load %arg7[%swap3A_333, %swap3A_334] : memref<1x1xf32, #tpu.memory_space<vmem>>, vector<1x1xf32>
      tpu.vector_store %arg7[%swap3A_333, %swap3A_334], %broadcast_in_dim3A_332 {strides = array<i32>} : memref<1x1xf32, #tpu.memory_space<vmem>>, vector<1x1xf32>,
      %broadcast_in_dim3A_336 = arith.constant 0.000000e+00 : f32
      %broadcast_in_dim3A_337 = vector.broadcast %broadcast_in_dim3A_336 : f32 to vector<1x8192xf32>
      %swap3A_338 = arith.constant 0 : index
      %swap3A_339 = arith.constant 0 : index
      %swap3A_340 = vector.load %arg8[%swap3A_338, %swap3A_339] : memref<1x8192xf32, #tpu.memory_space<vmem>>, vector<1x8192xf32>
      tpu.vector_store %arg8[%swap3A_338, %swap3A_339], %broadcast_in_dim3A_337 {strides = array<i32>} : memref<1x8192xf32, #tpu.memory_space<vmem>>, vector<1x8192xf32>,
    } else {
    }
    %get3A_13 = arith.constant 0 : index
    %get3A_14 = arith.constant 0 : index
    %get3A_15 = vector.load %arg7[%get3A_13, %get3A_14] : memref<1x1xf32, #tpu.memory_space<vmem>>, vector<1x1xf32>
    %add3A_16 = vector.broadcast %reduce_sum3A_10 : f32 to vector<1x1xf32>
    %add3A_17 = arith.addf %get3A_15, %add3A_16 : vector<1x1xf32>
    %swap3A_18 = arith.constant 0 : index
    %swap3A_19 = arith.constant 0 : index
    %swap3A_20 = vector.load %arg7[%swap3A_18, %swap3A_19] : memref<1x1xf32, #tpu.memory_space<vmem>>, vector<1x1xf32>
    tpu.vector_store %arg7[%swap3A_18, %swap3A_19], %add3A_17 {strides = array<i32>} : memref<1x1xf32, #tpu.memory_space<vmem>>, vector<1x1xf32>,
    %get3A_21 = arith.constant 0 : index
    %get3A_22 = arith.constant 0 : index
    %get3A_23 = vector.load %arg3[%get3A_21, %get3A_22] : memref<2048x1xi32, #tpu.memory_space<vmem>>, vector<2048x1xi32>
    %iota3A = tpu.iota {dimensions = array<i32: 1>} : vector<1x512xi32>
    %add3A_24 = arith.constant 0 : i32
    %add3A_25 = vector.broadcast %add3A_24 : i32 to vector<1x512xi32>
    %add3A_26 = arith.addi %iota3A, %add3A_25 : vector<1x512xi32>
    %eq3A_27 = vector.broadcast %get3A_23 : vector<2048x1xi32> to vector<2048x512xi32>
    %eq3A_28 = vector.broadcast %add3A_26 : vector<1x512xi32> to vector<2048x512xi32>
    %eq3A_29 = arith.cmpi eq, %eq3A_27, %eq3A_28 : vector<2048x512xi32>
    %convert_element_type3A_30 = arith.extui %eq3A_29 : vector<2048x512xi1> to vector<2048x512xi32>
    %convert_element_type3A_31 = arith.sitofp %convert_element_type3A_30 : vector<2048x512xi32> to vector<2048x512xf32>
    %get3A_32 = arith.constant 0 : index
    %get3A_33 = arith.constant 0 : index
    %get3A_34 = vector.load %arg8[%get3A_32, %get3A_33] : memref<1x8192xf32, #tpu.memory_space<vmem>>, vector<1x512xf32>
    %reduce_sum3A_35 = arith.constant dense<0.000000e+00> : vector<512xf32>
    %reduce_sum3A_36 = vector.multi_reduction <add>, %convert_element_type3A_31, %reduce_sum3A_35 [0] : vector<2048x512xf32> to vector<512xf32>
    %broadcast_in_dim3A = vector.shape_cast %reduce_sum3A_36 : vector<512xf32> to vector<1x512xf32>
    %add3A_37 = arith.addf %get3A_34, %broadcast_in_dim3A : vector<1x512xf32>
    %swap3A_38 = arith.constant 0 : index
    %swap3A_39 = arith.constant 0 : index
    %swap3A_40 = vector.load %arg8[%swap3A_38, %swap3A_39] : memref<1x8192xf32, #tpu.memory_space<vmem>>, vector<1x512xf32>
    tpu.vector_store %arg8[%swap3A_38, %swap3A_39], %add3A_37 {strides = array<i32>} : memref<1x8192xf32, #tpu.memory_space<vmem>>, vector<1x512xf32>,
    %iota3A_41 = tpu.iota {dimensions = array<i32: 1>} : vector<1x512xi32>
    %add3A_42 = arith.constant 512 : i32
    %add3A_43 = vector.broadcast %add3A_42 : i32 to vector<1x512xi32>
    %add3A_44 = arith.addi %iota3A_41, %add3A_43 : vector<1x512xi32>
    %eq3A_45 = vector.broadcast %get3A_23 : vector<2048x1xi32> to vector<2048x512xi32>
    %eq3A_46 = vector.broadcast %add3A_44 : vector<1x512xi32> to vector<2048x512xi32>
    %eq3A_47 = arith.cmpi eq, %eq3A_45, %eq3A_46 : vector<2048x512xi32>
    %convert_element_type3A_48 = arith.extui %eq3A_47 : vector<2048x512xi1> to vector<2048x512xi32>
    %convert_element_type3A_49 = arith.sitofp %convert_element_type3A_48 : vector<2048x512xi32> to vector<2048x512xf32>
    %get3A_50 = arith.constant 0 : index
    %get3A_51 = arith.constant 512 : index
    %get3A_52 = vector.load %arg8[%get3A_50, %get3A_51] : memref<1x8192xf32, #tpu.memory_space<vmem>>, vector<1x512xf32>
    %reduce_sum3A_53 = arith.constant dense<0.000000e+00> : vector<512xf32>
    %reduce_sum3A_54 = vector.multi_reduction <add>, %convert_element_type3A_49, %reduce_sum3A_53 [0] : vector<2048x512xf32> to vector<512xf32>
    %broadcast_in_dim3A_55 = vector.shape_cast %reduce_sum3A_54 : vector<512xf32> to vector<1x512xf32>
    %add3A_56 = arith.addf %get3A_52, %broadcast_in_dim3A_55 : vector<1x512xf32>
    %swap3A_57 = arith.constant 0 : index
    %swap3A_58 = arith.constant 512 : index
    %swap3A_59 = vector.load %arg8[%swap3A_57, %swap3A_58] : memref<1x8192xf32, #tpu.memory_space<vmem>>, vector<1x512xf32>
    tpu.vector_store %arg8[%swap3A_57, %swap3A_58], %add3A_56 {strides = array<i32>} : memref<1x8192xf32, #tpu.memory_space<vmem>>, vector<1x512xf32>,
    %iota3A_60 = tpu.iota {dimensions = array<i32: 1>} : vector<1x512xi32>
    %add3A_61 = arith.constant 1024 : i32
    %add3A_62 = vector.broadcast %add3A_61 : i32 to vector<1x512xi32>
    %add3A_63 = arith.addi %iota3A_60, %add3A_62 : vector<1x512xi32>
    %eq3A_64 = vector.broadcast %get3A_23 : vector<2048x1xi32> to vector<2048x512xi32>
    %eq3A_65 = vector.broadcast %add3A_63 : vector<1x512xi32> to vector<2048x512xi32>
    %eq3A_66 = arith.cmpi eq, %eq3A_64, %eq3A_65 : vector<2048x512xi32>
    %convert_element_type3A_67 = arith.extui %eq3A_66 : vector<2048x512xi1> to vector<2048x512xi32>
    %convert_element_type3A_68 = arith.sitofp %convert_element_type3A_67 : vector<2048x512xi32> to vector<2048x512xf32>
    %get3A_69 = arith.constant 0 : index
    %get3A_70 = arith.constant 1024 : index
    %get3A_71 = vector.load %arg8[%get3A_69, %get3A_70] : memref<1x8192xf32, #tpu.memory_space<vmem>>, vector<1x512xf32>
    %reduce_sum3A_72 = arith.constant dense<0.000000e+00> : vector<512xf32>
    %reduce_sum3A_73 = vector.multi_reduction <add>, %convert_element_type3A_68, %reduce_sum3A_72 [0] : vector<2048x512xf32> to vector<512xf32>
    %broadcast_in_dim3A_74 = vector.shape_cast %reduce_sum3A_73 : vector<512xf32> to vector<1x512xf32>
    %add3A_75 = arith.addf %get3A_71, %broadcast_in_dim3A_74 : vector<1x512xf32>
    %swap3A_76 = arith.constant 0 : index
    %swap3A_77 = arith.constant 1024 : index
    %swap3A_78 = vector.load %arg8[%swap3A_76, %swap3A_77] : memref<1x8192xf32, #tpu.memory_space<vmem>>, vector<1x512xf32>
    tpu.vector_store %arg8[%swap3A_76, %swap3A_77], %add3A_75 {strides = array<i32>} : memref<1x8192xf32, #tpu.memory_space<vmem>>, vector<1x512xf32>,
    %iota3A_79 = tpu.iota {dimensions = array<i32: 1>} : vector<1x512xi32>
    %add3A_80 = arith.constant 1536 : i32
    %add3A_81 = vector.broadcast %add3A_80 : i32 to vector<1x512xi32>
    %add3A_82 = arith.addi %iota3A_79, %add3A_81 : vector<1x512xi32>
    %eq3A_83 = vector.broadcast %get3A_23 : vector<2048x1xi32> to vector<2048x512xi32>
    %eq3A_84 = vector.broadcast %add3A_82 : vector<1x512xi32> to vector<2048x512xi32>
    %eq3A_85 = arith.cmpi eq, %eq3A_83, %eq3A_84 : vector<2048x512xi32>
    %convert_element_type3A_86 = arith.extui %eq3A_85 : vector<2048x512xi1> to vector<2048x512xi32>
    %convert_element_type3A_87 = arith.sitofp %convert_element_type3A_86 : vector<2048x512xi32> to vector<2048x512xf32>
    %get3A_88 = arith.constant 0 : index
    %get3A_89 = arith.constant 1536 : index
    %get3A_90 = vector.load %arg8[%get3A_88, %get3A_89] : memref<1x8192xf32, #tpu.memory_space<vmem>>, vector<1x512xf32>
    %reduce_sum3A_91 = arith.constant dense<0.000000e+00> : vector<512xf32>
    %reduce_sum3A_92 = vector.multi_reduction <add>, %convert_element_type3A_87, %reduce_sum3A_91 [0] : vector<2048x512xf32> to vector<512xf32>
    %broadcast_in_dim3A_93 = vector.shape_cast %reduce_sum3A_92 : vector<512xf32> to vector<1x512xf32>
    %add3A_94 = arith.addf %get3A_90, %broadcast_in_dim3A_93 : vector<1x512xf32>
    %swap3A_95 = arith.constant 0 : index
    %swap3A_96 = arith.constant 1536 : index
    %swap3A_97 = vector.load %arg8[%swap3A_95, %swap3A_96] : memref<1x8192xf32, #tpu.memory_space<vmem>>, vector<1x512xf32>
    tpu.vector_store %arg8[%swap3A_95, %swap3A_96], %add3A_94 {strides = array<i32>} : memref<1x8192xf32, #tpu.memory_space<vmem>>, vector<1x512xf32>,
    %iota3A_98 = tpu.iota {dimensions = array<i32: 1>} : vector<1x512xi32>
    %add3A_99 = arith.constant 2048 : i32
    %add3A_100 = vector.broadcast %add3A_99 : i32 to vector<1x512xi32>
    %add3A_101 = arith.addi %iota3A_98, %add3A_100 : vector<1x512xi32>
    %eq3A_102 = vector.broadcast %get3A_23 : vector<2048x1xi32> to vector<2048x512xi32>
    %eq3A_103 = vector.broadcast %add3A_101 : vector<1x512xi32> to vector<2048x512xi32>
    %eq3A_104 = arith.cmpi eq, %eq3A_102, %eq3A_103 : vector<2048x512xi32>
    %convert_element_type3A_105 = arith.extui %eq3A_104 : vector<2048x512xi1> to vector<2048x512xi32>
    %convert_element_type3A_106 = arith.sitofp %convert_element_type3A_105 : vector<2048x512xi32> to vector<2048x512xf32>
    %get3A_107 = arith.constant 0 : index
    %get3A_108 = arith.constant 2048 : index
    %get3A_109 = vector.load %arg8[%get3A_107, %get3A_108] : memref<1x8192xf32, #tpu.memory_space<vmem>>, vector<1x512xf32>
    %reduce_sum3A_110 = arith.constant dense<0.000000e+00> : vector<512xf32>
    %reduce_sum3A_111 = vector.multi_reduction <add>, %convert_element_type3A_106, %reduce_sum3A_110 [0] : vector<2048x512xf32> to vector<512xf32>
    %broadcast_in_dim3A_112 = vector.shape_cast %reduce_sum3A_111 : vector<512xf32> to vector<1x512xf32>
    %add3A_113 = arith.addf %get3A_109, %broadcast_in_dim3A_112 : vector<1x512xf32>
    %swap3A_114 = arith.constant 0 : index
    %swap3A_115 = arith.constant 2048 : index
    %swap3A_116 = vector.load %arg8[%swap3A_114, %swap3A_115] : memref<1x8192xf32, #tpu.memory_space<vmem>>, vector<1x512xf32>
    tpu.vector_store %arg8[%swap3A_114, %swap3A_115], %add3A_113 {strides = array<i32>} : memref<1x8192xf32, #tpu.memory_space<vmem>>, vector<1x512xf32>,
    %iota3A_117 = tpu.iota {dimensions = array<i32: 1>} : vector<1x512xi32>
    %add3A_118 = arith.constant 2560 : i32
    %add3A_119 = vector.broadcast %add3A_118 : i32 to vector<1x512xi32>
    %add3A_120 = arith.addi %iota3A_117, %add3A_119 : vector<1x512xi32>
    %eq3A_121 = vector.broadcast %get3A_23 : vector<2048x1xi32> to vector<2048x512xi32>
    %eq3A_122 = vector.broadcast %add3A_120 : vector<1x512xi32> to vector<2048x512xi32>
    %eq3A_123 = arith.cmpi eq, %eq3A_121, %eq3A_122 : vector<2048x512xi32>
    %convert_element_type3A_124 = arith.extui %eq3A_123 : vector<2048x512xi1> to vector<2048x512xi32>
    %convert_element_type3A_125 = arith.sitofp %convert_element_type3A_124 : vector<2048x512xi32> to vector<2048x512xf32>
    %get3A_126 = arith.constant 0 : index
    %get3A_127 = arith.constant 2560 : index
    %get3A_128 = vector.load %arg8[%get3A_126, %get3A_127] : memref<1x8192xf32, #tpu.memory_space<vmem>>, vector<1x512xf32>
    %reduce_sum3A_129 = arith.constant dense<0.000000e+00> : vector<512xf32>
    %reduce_sum3A_130 = vector.multi_reduction <add>, %convert_element_type3A_125, %reduce_sum3A_129 [0] : vector<2048x512xf32> to vector<512xf32>
    %broadcast_in_dim3A_131 = vector.shape_cast %reduce_sum3A_130 : vector<512xf32> to vector<1x512xf32>
    %add3A_132 = arith.addf %get3A_128, %broadcast_in_dim3A_131 : vector<1x512xf32>
    %swap3A_133 = arith.constant 0 : index
    %swap3A_134 = arith.constant 2560 : index
    %swap3A_135 = vector.load %arg8[%swap3A_133, %swap3A_134] : memref<1x8192xf32, #tpu.memory_space<vmem>>, vector<1x512xf32>
    tpu.vector_store %arg8[%swap3A_133, %swap3A_134], %add3A_132 {strides = array<i32>} : memref<1x8192xf32, #tpu.memory_space<vmem>>, vector<1x512xf32>,
    %iota3A_136 = tpu.iota {dimensions = array<i32: 1>} : vector<1x512xi32>
    %add3A_137 = arith.constant 3072 : i32
    %add3A_138 = vector.broadcast %add3A_137 : i32 to vector<1x512xi32>
    %add3A_139 = arith.addi %iota3A_136, %add3A_138 : vector<1x512xi32>
    %eq3A_140 = vector.broadcast %get3A_23 : vector<2048x1xi32> to vector<2048x512xi32>
    %eq3A_141 = vector.broadcast %add3A_139 : vector<1x512xi32> to vector<2048x512xi32>
    %eq3A_142 = arith.cmpi eq, %eq3A_140, %eq3A_141 : vector<2048x512xi32>
    %convert_element_type3A_143 = arith.extui %eq3A_142 : vector<2048x512xi1> to vector<2048x512xi32>
    %convert_element_type3A_144 = arith.sitofp %convert_element_type3A_143 : vector<2048x512xi32> to vector<2048x512xf32>
    %get3A_145 = arith.constant 0 : index
    %get3A_146 = arith.constant 3072 : index
    %get3A_147 = vector.load %arg8[%get3A_145, %get3A_146] : memref<1x8192xf32, #tpu.memory_space<vmem>>, vector<1x512xf32>
    %reduce_sum3A_148 = arith.constant dense<0.000000e+00> : vector<512xf32>
    %reduce_sum3A_149 = vector.multi_reduction <add>, %convert_element_type3A_144, %reduce_sum3A_148 [0] : vector<2048x512xf32> to vector<512xf32>
    %broadcast_in_dim3A_150 = vector.shape_cast %reduce_sum3A_149 : vector<512xf32> to vector<1x512xf32>
    %add3A_151 = arith.addf %get3A_147, %broadcast_in_dim3A_150 : vector<1x512xf32>
    %swap3A_152 = arith.constant 0 : index
    %swap3A_153 = arith.constant 3072 : index
    %swap3A_154 = vector.load %arg8[%swap3A_152, %swap3A_153] : memref<1x8192xf32, #tpu.memory_space<vmem>>, vector<1x512xf32>
    tpu.vector_store %arg8[%swap3A_152, %swap3A_153], %add3A_151 {strides = array<i32>} : memref<1x8192xf32, #tpu.memory_space<vmem>>, vector<1x512xf32>,
    %iota3A_155 = tpu.iota {dimensions = array<i32: 1>} : vector<1x512xi32>
    %add3A_156 = arith.constant 3584 : i32
    %add3A_157 = vector.broadcast %add3A_156 : i32 to vector<1x512xi32>
    %add3A_158 = arith.addi %iota3A_155, %add3A_157 : vector<1x512xi32>
    %eq3A_159 = vector.broadcast %get3A_23 : vector<2048x1xi32> to vector<2048x512xi32>
    %eq3A_160 = vector.broadcast %add3A_158 : vector<1x512xi32> to vector<2048x512xi32>
    %eq3A_161 = arith.cmpi eq, %eq3A_159, %eq3A_160 : vector<2048x512xi32>
    %convert_element_type3A_162 = arith.extui %eq3A_161 : vector<2048x512xi1> to vector<2048x512xi32>
    %convert_element_type3A_163 = arith.sitofp %convert_element_type3A_162 : vector<2048x512xi32> to vector<2048x512xf32>
    %get3A_164 = arith.constant 0 : index
    %get3A_165 = arith.constant 3584 : index
    %get3A_166 = vector.load %arg8[%get3A_164, %get3A_165] : memref<1x8192xf32, #tpu.memory_space<vmem>>, vector<1x512xf32>
    %reduce_sum3A_167 = arith.constant dense<0.000000e+00> : vector<512xf32>
    %reduce_sum3A_168 = vector.multi_reduction <add>, %convert_element_type3A_163, %reduce_sum3A_167 [0] : vector<2048x512xf32> to vector<512xf32>
    %broadcast_in_dim3A_169 = vector.shape_cast %reduce_sum3A_168 : vector<512xf32> to vector<1x512xf32>
    %add3A_170 = arith.addf %get3A_166, %broadcast_in_dim3A_169 : vector<1x512xf32>
    %swap3A_171 = arith.constant 0 : index
    %swap3A_172 = arith.constant 3584 : index
    %swap3A_173 = vector.load %arg8[%swap3A_171, %swap3A_172] : memref<1x8192xf32, #tpu.memory_space<vmem>>, vector<1x512xf32>
    tpu.vector_store %arg8[%swap3A_171, %swap3A_172], %add3A_170 {strides = array<i32>} : memref<1x8192xf32, #tpu.memory_space<vmem>>, vector<1x512xf32>,
    %iota3A_174 = tpu.iota {dimensions = array<i32: 1>} : vector<1x512xi32>
    %add3A_175 = arith.constant 4096 : i32
    %add3A_176 = vector.broadcast %add3A_175 : i32 to vector<1x512xi32>
    %add3A_177 = arith.addi %iota3A_174, %add3A_176 : vector<1x512xi32>
    %eq3A_178 = vector.broadcast %get3A_23 : vector<2048x1xi32> to vector<2048x512xi32>
    %eq3A_179 = vector.broadcast %add3A_177 : vector<1x512xi32> to vector<2048x512xi32>
    %eq3A_180 = arith.cmpi eq, %eq3A_178, %eq3A_179 : vector<2048x512xi32>
    %convert_element_type3A_181 = arith.extui %eq3A_180 : vector<2048x512xi1> to vector<2048x512xi32>
    %convert_element_type3A_182 = arith.sitofp %convert_element_type3A_181 : vector<2048x512xi32> to vector<2048x512xf32>
    %get3A_183 = arith.constant 0 : index
    %get3A_184 = arith.constant 4096 : index
    %get3A_185 = vector.load %arg8[%get3A_183, %get3A_184] : memref<1x8192xf32, #tpu.memory_space<vmem>>, vector<1x512xf32>
    %reduce_sum3A_186 = arith.constant dense<0.000000e+00> : vector<512xf32>
    %reduce_sum3A_187 = vector.multi_reduction <add>, %convert_element_type3A_182, %reduce_sum3A_186 [0] : vector<2048x512xf32> to vector<512xf32>
    %broadcast_in_dim3A_188 = vector.shape_cast %reduce_sum3A_187 : vector<512xf32> to vector<1x512xf32>
    %add3A_189 = arith.addf %get3A_185, %broadcast_in_dim3A_188 : vector<1x512xf32>
    %swap3A_190 = arith.constant 0 : index
    %swap3A_191 = arith.constant 4096 : index
    %swap3A_192 = vector.load %arg8[%swap3A_190, %swap3A_191] : memref<1x8192xf32, #tpu.memory_space<vmem>>, vector<1x512xf32>
    tpu.vector_store %arg8[%swap3A_190, %swap3A_191], %add3A_189 {strides = array<i32>} : memref<1x8192xf32, #tpu.memory_space<vmem>>, vector<1x512xf32>,
    %iota3A_193 = tpu.iota {dimensions = array<i32: 1>} : vector<1x512xi32>
    %add3A_194 = arith.constant 4608 : i32
    %add3A_195 = vector.broadcast %add3A_194 : i32 to vector<1x512xi32>
    %add3A_196 = arith.addi %iota3A_193, %add3A_195 : vector<1x512xi32>
    %eq3A_197 = vector.broadcast %get3A_23 : vector<2048x1xi32> to vector<2048x512xi32>
    %eq3A_198 = vector.broadcast %add3A_196 : vector<1x512xi32> to vector<2048x512xi32>
    %eq3A_199 = arith.cmpi eq, %eq3A_197, %eq3A_198 : vector<2048x512xi32>
    %convert_element_type3A_200 = arith.extui %eq3A_199 : vector<2048x512xi1> to vector<2048x512xi32>
    %convert_element_type3A_201 = arith.sitofp %convert_element_type3A_200 : vector<2048x512xi32> to vector<2048x512xf32>
    %get3A_202 = arith.constant 0 : index
    %get3A_203 = arith.constant 4608 : index
    %get3A_204 = vector.load %arg8[%get3A_202, %get3A_203] : memref<1x8192xf32, #tpu.memory_space<vmem>>, vector<1x512xf32>
    %reduce_sum3A_205 = arith.constant dense<0.000000e+00> : vector<512xf32>
    %reduce_sum3A_206 = vector.multi_reduction <add>, %convert_element_type3A_201, %reduce_sum3A_205 [0] : vector<2048x512xf32> to vector<512xf32>
    %broadcast_in_dim3A_207 = vector.shape_cast %reduce_sum3A_206 : vector<512xf32> to vector<1x512xf32>
    %add3A_208 = arith.addf %get3A_204, %broadcast_in_dim3A_207 : vector<1x512xf32>
    %swap3A_209 = arith.constant 0 : index
    %swap3A_210 = arith.constant 4608 : index
    %swap3A_211 = vector.load %arg8[%swap3A_209, %swap3A_210] : memref<1x8192xf32, #tpu.memory_space<vmem>>, vector<1x512xf32>
    tpu.vector_store %arg8[%swap3A_209, %swap3A_210], %add3A_208 {strides = array<i32>} : memref<1x8192xf32, #tpu.memory_space<vmem>>, vector<1x512xf32>,
    %iota3A_212 = tpu.iota {dimensions = array<i32: 1>} : vector<1x512xi32>
    %add3A_213 = arith.constant 5120 : i32
    %add3A_214 = vector.broadcast %add3A_213 : i32 to vector<1x512xi32>
    %add3A_215 = arith.addi %iota3A_212, %add3A_214 : vector<1x512xi32>
    %eq3A_216 = vector.broadcast %get3A_23 : vector<2048x1xi32> to vector<2048x512xi32>
    %eq3A_217 = vector.broadcast %add3A_215 : vector<1x512xi32> to vector<2048x512xi32>
    %eq3A_218 = arith.cmpi eq, %eq3A_216, %eq3A_217 : vector<2048x512xi32>
    %convert_element_type3A_219 = arith.extui %eq3A_218 : vector<2048x512xi1> to vector<2048x512xi32>
    %convert_element_type3A_220 = arith.sitofp %convert_element_type3A_219 : vector<2048x512xi32> to vector<2048x512xf32>
    %get3A_221 = arith.constant 0 : index
    %get3A_222 = arith.constant 5120 : index
    %get3A_223 = vector.load %arg8[%get3A_221, %get3A_222] : memref<1x8192xf32, #tpu.memory_space<vmem>>, vector<1x512xf32>
    %reduce_sum3A_224 = arith.constant dense<0.000000e+00> : vector<512xf32>
    %reduce_sum3A_225 = vector.multi_reduction <add>, %convert_element_type3A_220, %reduce_sum3A_224 [0] : vector<2048x512xf32> to vector<512xf32>
    %broadcast_in_dim3A_226 = vector.shape_cast %reduce_sum3A_225 : vector<512xf32> to vector<1x512xf32>
    %add3A_227 = arith.addf %get3A_223, %broadcast_in_dim3A_226 : vector<1x512xf32>
    %swap3A_228 = arith.constant 0 : index
    %swap3A_229 = arith.constant 5120 : index
    %swap3A_230 = vector.load %arg8[%swap3A_228, %swap3A_229] : memref<1x8192xf32, #tpu.memory_space<vmem>>, vector<1x512xf32>
    tpu.vector_store %arg8[%swap3A_228, %swap3A_229], %add3A_227 {strides = array<i32>} : memref<1x8192xf32, #tpu.memory_space<vmem>>, vector<1x512xf32>,
    %iota3A_231 = tpu.iota {dimensions = array<i32: 1>} : vector<1x512xi32>
    %add3A_232 = arith.constant 5632 : i32
    %add3A_233 = vector.broadcast %add3A_232 : i32 to vector<1x512xi32>
    %add3A_234 = arith.addi %iota3A_231, %add3A_233 : vector<1x512xi32>
    %eq3A_235 = vector.broadcast %get3A_23 : vector<2048x1xi32> to vector<2048x512xi32>
    %eq3A_236 = vector.broadcast %add3A_234 : vector<1x512xi32> to vector<2048x512xi32>
    %eq3A_237 = arith.cmpi eq, %eq3A_235, %eq3A_236 : vector<2048x512xi32>
    %convert_element_type3A_238 = arith.extui %eq3A_237 : vector<2048x512xi1> to vector<2048x512xi32>
    %convert_element_type3A_239 = arith.sitofp %convert_element_type3A_238 : vector<2048x512xi32> to vector<2048x512xf32>
    %get3A_240 = arith.constant 0 : index
    %get3A_241 = arith.constant 5632 : index
    %get3A_242 = vector.load %arg8[%get3A_240, %get3A_241] : memref<1x8192xf32, #tpu.memory_space<vmem>>, vector<1x512xf32>
    %reduce_sum3A_243 = arith.constant dense<0.000000e+00> : vector<512xf32>
    %reduce_sum3A_244 = vector.multi_reduction <add>, %convert_element_type3A_239, %reduce_sum3A_243 [0] : vector<2048x512xf32> to vector<512xf32>
    %broadcast_in_dim3A_245 = vector.shape_cast %reduce_sum3A_244 : vector<512xf32> to vector<1x512xf32>
    %add3A_246 = arith.addf %get3A_242, %broadcast_in_dim3A_245 : vector<1x512xf32>
    %swap3A_247 = arith.constant 0 : index
    %swap3A_248 = arith.constant 5632 : index
    %swap3A_249 = vector.load %arg8[%swap3A_247, %swap3A_248] : memref<1x8192xf32, #tpu.memory_space<vmem>>, vector<1x512xf32>
    tpu.vector_store %arg8[%swap3A_247, %swap3A_248], %add3A_246 {strides = array<i32>} : memref<1x8192xf32, #tpu.memory_space<vmem>>, vector<1x512xf32>,
    %iota3A_250 = tpu.iota {dimensions = array<i32: 1>} : vector<1x512xi32>
    %add3A_251 = arith.constant 6144 : i32
    %add3A_252 = vector.broadcast %add3A_251 : i32 to vector<1x512xi32>
    %add3A_253 = arith.addi %iota3A_250, %add3A_252 : vector<1x512xi32>
    %eq3A_254 = vector.broadcast %get3A_23 : vector<2048x1xi32> to vector<2048x512xi32>
    %eq3A_255 = vector.broadcast %add3A_253 : vector<1x512xi32> to vector<2048x512xi32>
    %eq3A_256 = arith.cmpi eq, %eq3A_254, %eq3A_255 : vector<2048x512xi32>
    %convert_element_type3A_257 = arith.extui %eq3A_256 : vector<2048x512xi1> to vector<2048x512xi32>
    %convert_element_type3A_258 = arith.sitofp %convert_element_type3A_257 : vector<2048x512xi32> to vector<2048x512xf32>
    %get3A_259 = arith.constant 0 : index
    %get3A_260 = arith.constant 6144 : index
    %get3A_261 = vector.load %arg8[%get3A_259, %get3A_260] : memref<1x8192xf32, #tpu.memory_space<vmem>>, vector<1x512xf32>
    %reduce_sum3A_262 = arith.constant dense<0.000000e+00> : vector<512xf32>
    %reduce_sum3A_263 = vector.multi_reduction <add>, %convert_element_type3A_258, %reduce_sum3A_262 [0] : vector<2048x512xf32> to vector<512xf32>
    %broadcast_in_dim3A_264 = vector.shape_cast %reduce_sum3A_263 : vector<512xf32> to vector<1x512xf32>
    %add3A_265 = arith.addf %get3A_261, %broadcast_in_dim3A_264 : vector<1x512xf32>
    %swap3A_266 = arith.constant 0 : index
    %swap3A_267 = arith.constant 6144 : index
    %swap3A_268 = vector.load %arg8[%swap3A_266, %swap3A_267] : memref<1x8192xf32, #tpu.memory_space<vmem>>, vector<1x512xf32>
    tpu.vector_store %arg8[%swap3A_266, %swap3A_267], %add3A_265 {strides = array<i32>} : memref<1x8192xf32, #tpu.memory_space<vmem>>, vector<1x512xf32>,
    %iota3A_269 = tpu.iota {dimensions = array<i32: 1>} : vector<1x512xi32>
    %add3A_270 = arith.constant 6656 : i32
    %add3A_271 = vector.broadcast %add3A_270 : i32 to vector<1x512xi32>
    %add3A_272 = arith.addi %iota3A_269, %add3A_271 : vector<1x512xi32>
    %eq3A_273 = vector.broadcast %get3A_23 : vector<2048x1xi32> to vector<2048x512xi32>
    %eq3A_274 = vector.broadcast %add3A_272 : vector<1x512xi32> to vector<2048x512xi32>
    %eq3A_275 = arith.cmpi eq, %eq3A_273, %eq3A_274 : vector<2048x512xi32>
    %convert_element_type3A_276 = arith.extui %eq3A_275 : vector<2048x512xi1> to vector<2048x512xi32>
    %convert_element_type3A_277 = arith.sitofp %convert_element_type3A_276 : vector<2048x512xi32> to vector<2048x512xf32>
    %get3A_278 = arith.constant 0 : index
    %get3A_279 = arith.constant 6656 : index
    %get3A_280 = vector.load %arg8[%get3A_278, %get3A_279] : memref<1x8192xf32, #tpu.memory_space<vmem>>, vector<1x512xf32>
    %reduce_sum3A_281 = arith.constant dense<0.000000e+00> : vector<512xf32>
    %reduce_sum3A_282 = vector.multi_reduction <add>, %convert_element_type3A_277, %reduce_sum3A_281 [0] : vector<2048x512xf32> to vector<512xf32>
    %broadcast_in_dim3A_283 = vector.shape_cast %reduce_sum3A_282 : vector<512xf32> to vector<1x512xf32>
    %add3A_284 = arith.addf %get3A_280, %broadcast_in_dim3A_283 : vector<1x512xf32>
    %swap3A_285 = arith.constant 0 : index
    %swap3A_286 = arith.constant 6656 : index
    %swap3A_287 = vector.load %arg8[%swap3A_285, %swap3A_286] : memref<1x8192xf32, #tpu.memory_space<vmem>>, vector<1x512xf32>
    tpu.vector_store %arg8[%swap3A_285, %swap3A_286], %add3A_284 {strides = array<i32>} : memref<1x8192xf32, #tpu.memory_space<vmem>>, vector<1x512xf32>,
    %iota3A_288 = tpu.iota {dimensions = array<i32: 1>} : vector<1x512xi32>
    %add3A_289 = arith.constant 7168 : i32
    %add3A_290 = vector.broadcast %add3A_289 : i32 to vector<1x512xi32>
    %add3A_291 = arith.addi %iota3A_288, %add3A_290 : vector<1x512xi32>
    %eq3A_292 = vector.broadcast %get3A_23 : vector<2048x1xi32> to vector<2048x512xi32>
    %eq3A_293 = vector.broadcast %add3A_291 : vector<1x512xi32> to vector<2048x512xi32>
    %eq3A_294 = arith.cmpi eq, %eq3A_292, %eq3A_293 : vector<2048x512xi32>
    %convert_element_type3A_295 = arith.extui %eq3A_294 : vector<2048x512xi1> to vector<2048x512xi32>
    %convert_element_type3A_296 = arith.sitofp %convert_element_type3A_295 : vector<2048x512xi32> to vector<2048x512xf32>
    %get3A_297 = arith.constant 0 : index
    %get3A_298 = arith.constant 7168 : index
    %get3A_299 = vector.load %arg8[%get3A_297, %get3A_298] : memref<1x8192xf32, #tpu.memory_space<vmem>>, vector<1x512xf32>
    %reduce_sum3A_300 = arith.constant dense<0.000000e+00> : vector<512xf32>
    %reduce_sum3A_301 = vector.multi_reduction <add>, %convert_element_type3A_296, %reduce_sum3A_300 [0] : vector<2048x512xf32> to vector<512xf32>
    %broadcast_in_dim3A_302 = vector.shape_cast %reduce_sum3A_301 : vector<512xf32> to vector<1x512xf32>
    %add3A_303 = arith.addf %get3A_299, %broadcast_in_dim3A_302 : vector<1x512xf32>
    %swap3A_304 = arith.constant 0 : index
    %swap3A_305 = arith.constant 7168 : index
    %swap3A_306 = vector.load %arg8[%swap3A_304, %swap3A_305] : memref<1x8192xf32, #tpu.memory_space<vmem>>, vector<1x512xf32>
    tpu.vector_store %arg8[%swap3A_304, %swap3A_305], %add3A_303 {strides = array<i32>} : memref<1x8192xf32, #tpu.memory_space<vmem>>, vector<1x512xf32>,
    %iota3A_307 = tpu.iota {dimensions = array<i32: 1>} : vector<1x512xi32>
    %add3A_308 = arith.constant 7680 : i32
    %add3A_309 = vector.broadcast %add3A_308 : i32 to vector<1x512xi32>
    %add3A_310 = arith.addi %iota3A_307, %add3A_309 : vector<1x512xi32>
    %eq3A_311 = vector.broadcast %get3A_23 : vector<2048x1xi32> to vector<2048x512xi32>
    %eq3A_312 = vector.broadcast %add3A_310 : vector<1x512xi32> to vector<2048x512xi32>
    %eq3A_313 = arith.cmpi eq, %eq3A_311, %eq3A_312 : vector<2048x512xi32>
    %convert_element_type3A_314 = arith.extui %eq3A_313 : vector<2048x512xi1> to vector<2048x512xi32>
    %convert_element_type3A_315 = arith.sitofp %convert_element_type3A_314 : vector<2048x512xi32> to vector<2048x512xf32>
    %get3A_316 = arith.constant 0 : index
    %get3A_317 = arith.constant 7680 : index
    %get3A_318 = vector.load %arg8[%get3A_316, %get3A_317] : memref<1x8192xf32, #tpu.memory_space<vmem>>, vector<1x512xf32>
    %reduce_sum3A_319 = arith.constant dense<0.000000e+00> : vector<512xf32>
    %reduce_sum3A_320 = vector.multi_reduction <add>, %convert_element_type3A_315, %reduce_sum3A_319 [0] : vector<2048x512xf32> to vector<512xf32>
    %broadcast_in_dim3A_321 = vector.shape_cast %reduce_sum3A_320 : vector<512xf32> to vector<1x512xf32>
    %add3A_322 = arith.addf %get3A_318, %broadcast_in_dim3A_321 : vector<1x512xf32>
    %swap3A_323 = arith.constant 0 : index
    %swap3A_324 = arith.constant 7680 : index
    %swap3A_325 = vector.load %arg8[%swap3A_323, %swap3A_324] : memref<1x8192xf32, #tpu.memory_space<vmem>>, vector<1x512xf32>
    tpu.vector_store %arg8[%swap3A_323, %swap3A_324], %add3A_322 {strides = array<i32>} : memref<1x8192xf32, #tpu.memory_space<vmem>>, vector<1x512xf32>,
    %eq3A_326 = arith.constant 7 : i32
    %eq3A_327 = arith.cmpi eq, %arg0, %eq3A_326 : i32
    %convert_element_type3A_328 = arith.extui %eq3A_327 : i1 to i32
    %cond3A_329 = arith.constant 0 : i32
    %cond3A_330 = arith.cmpi ne, %convert_element_type3A_328, %cond3A_329 : i32
    scf.if %cond3A_330 {
      %get3A_331 = arith.constant 0 : index
      %get3A_332 = arith.constant 0 : index
      %get3A_333 = vector.load %arg7[%get3A_331, %get3A_332] : memref<1x1xf32, #tpu.memory_space<vmem>>, vector<1x1xf32>
      %swap3A_334 = arith.constant 0 : index
      %swap3A_335 = arith.constant 0 : index
      %swap3A_336 = vector.load %arg5[%swap3A_334, %swap3A_335] : memref<1x1xf32, #tpu.memory_space<vmem>>, vector<1x1xf32>
      tpu.vector_store %arg5[%swap3A_334, %swap3A_335], %get3A_333 {strides = array<i32>} : memref<1x1xf32, #tpu.memory_space<vmem>>, vector<1x1xf32>,
      %get3A_337 = arith.constant 0 : index
      %get3A_338 = arith.constant 0 : index
      %get3A_339 = vector.load %arg8[%get3A_337, %get3A_338] : memref<1x8192xf32, #tpu.memory_space<vmem>>, vector<1x8192xf32>
      %swap3A_340 = arith.constant 0 : index
      %swap3A_341 = arith.constant 0 : index
      %swap3A_342 = vector.load %arg6[%swap3A_340, %swap3A_341] : memref<1x8192xf32, #tpu.memory_space<vmem>>, vector<1x8192xf32>
      tpu.vector_store %arg6[%swap3A_340, %swap3A_341], %get3A_339 {strides = array<i32>} : memref<1x8192xf32, #tpu.memory_space<vmem>>, vector<1x8192xf32>,
    } else {
    }
    return
  }
  func.func @transform_0(%arg0: i32) -> (i32, i32) {
    %c0_i32 = arith.constant 0 : i32
    %c0_i32_0 = arith.constant 0 : i32
    return %arg0, %c0_i32 : i32, i32
  }
  func.func @transform_1(%arg0: i32) -> (i32, i32) {
    %c0_i32 = arith.constant 0 : i32
    %c0_i32_0 = arith.constant 0 : i32
    return %arg0, %c0_i32 : i32, i32
  }
  func.func @transform_2(%arg0: i32) -> (i32, i32) {
    %c0_i32 = arith.constant 0 : i32
    %c0_i32_0 = arith.constant 0 : i32
    return %arg0, %c0_i32 : i32, i32
  }
  func.func @transform_3(%arg0: i32) -> (i32, i32) {
    %c0_i32 = arith.constant 0 : i32
    %c0_i32_0 = arith.constant 0 : i32
    return %arg0, %c0_i32 : i32, i32
  }
  func.func @transform_4(%arg0: i32) -> (i32, i32) {
    %c0_i32 = arith.constant 0 : i32
    %c0_i32_0 = arith.constant 0 : i32
    %c0_i32_1 = arith.constant 0 : i32
    return %c0_i32, %c0_i32_0 : i32, i32
  }
  func.func @transform_5(%arg0: i32) -> (i32, i32) {
    %c0_i32 = arith.constant 0 : i32
    %c0_i32_0 = arith.constant 0 : i32
    %c0_i32_1 = arith.constant 0 : i32
    return %c0_i32, %c0_i32_0 : i32, i32
  }
}

module attributes {stable_mosaic.version = 14 : i64} {
  func.func @_k4_body(%arg0: memref<256x256xf32, #tpu.memory_space<vmem>>, %arg1: memref<1x256xf32, #tpu.memory_space<vmem>>, %arg2: memref<256x256xf32, #tpu.memory_space<vmem>>, %arg3: memref<1x256xf32, #tpu.memory_space<vmem>>, %arg4: memref<1x8192xf32, #tpu.memory_space<vmem>>, %arg5: memref<1x1xf32, #tpu.memory_space<vmem>>, %arg6: memref<1x1xf32, #tpu.memory_space<vmem>>, %arg7: memref<1x1xf32, #tpu.memory_space<vmem>>, %arg8: memref<1x1xf32, #tpu.memory_space<vmem>>, %arg9: memref<1x1xf32, #tpu.memory_space<vmem>>, %arg10: memref<1x1xf32, #tpu.memory_space<vmem>>) attributes {dimension_semantics = [], scalar_prefetch = 0 : i64, scratch_operands = 0 : i64, tpu.core_type = #tpu.core_type<tc>} {
    %iota3A = tpu.iota {dimensions = array<i32: 0>} : vector<256x256xi32>
    %iota3A_0 = tpu.iota {dimensions = array<i32: 1>} : vector<256x256xi32>
    %eq3A = arith.cmpi eq, %iota3A, %iota3A_0 : vector<256x256xi32>
    %convert_element_type3A = arith.extui %eq3A : vector<256x256xi1> to vector<256x256xi32>
    %convert_element_type3A_1 = arith.sitofp %convert_element_type3A : vector<256x256xi32> to vector<256x256xf32>
    %get3A = arith.constant 0 : index
    %get3A_2 = arith.constant 0 : index
    %get3A_3 = vector.load %arg0[%get3A, %get3A_2] : memref<256x256xf32, #tpu.memory_space<vmem>>, vector<256x256xf32>
    %get3A_4 = arith.constant 0 : index
    %get3A_5 = arith.constant 0 : index
    %get3A_6 = vector.load %arg2[%get3A_4, %get3A_5] : memref<256x256xf32, #tpu.memory_space<vmem>>, vector<256x256xf32>
    %get3A_7 = arith.constant 0 : index
    %get3A_8 = arith.constant 0 : index
    %get3A_9 = vector.load %arg1[%get3A_7, %get3A_8] : memref<1x256xf32, #tpu.memory_space<vmem>>, vector<1x256xf32>
    %get3A_10 = arith.constant 0 : index
    %get3A_11 = arith.constant 0 : index
    %get3A_12 = vector.load %arg3[%get3A_10, %get3A_11] : memref<1x256xf32, #tpu.memory_space<vmem>>, vector<1x256xf32>
    %div3A = arith.constant 8.192000e+03 : f32
    %div3A_13 = vector.broadcast %div3A : f32 to vector<1x256xf32>
    %div3A_14 = arith.divf %get3A_12, %div3A_13 : vector<1x256xf32>
    %mul3A = arith.mulf %get3A_6, %convert_element_type3A_1 : vector<256x256xf32>
    %reduce_sum3A = arith.constant dense<0.000000e+00> : vector<256xf32>
    %reduce_sum3A_15 = vector.multi_reduction <add>, %mul3A, %reduce_sum3A [0] : vector<256x256xf32> to vector<256xf32>
    %broadcast_in_dim3A = vector.shape_cast %reduce_sum3A_15 : vector<256xf32> to vector<1x256xf32>
    %mul3A_16 = arith.constant 8.192000e+03 : f32
    %mul3A_17 = vector.broadcast %mul3A_16 : f32 to vector<1x256xf32>
    %mul3A_18 = arith.mulf %mul3A_17, %div3A_14 : vector<1x256xf32>
    %mul3A_19 = arith.mulf %mul3A_18, %div3A_14 : vector<1x256xf32>
    %sub3A = arith.subf %broadcast_in_dim3A, %mul3A_19 : vector<1x256xf32>
    %sub3A_20 = arith.constant 8.192000e+03 : f32
    %sub3A_21 = arith.constant 1.000000e+00 : f32
    %sub3A_22 = arith.subf %sub3A_20, %sub3A_21 : f32
    %div3A_23 = vector.broadcast %sub3A_22 : f32 to vector<1x256xf32>
    %div3A_24 = arith.divf %sub3A, %div3A_23 : vector<1x256xf32>
    %reduce_max3A = vector.shape_cast %div3A_24 : vector<1x256xf32> to vector<1x1x256xf32>
    %reduce_max3A_25 = arith.constant dense<0xFF800000> : vector<1xf32>
    %reduce_max3A_26 = vector.multi_reduction <maximumf>, %reduce_max3A, %reduce_max3A_25 [1, 2] : vector<1x1x256xf32> to vector<1xf32>
    %reduce_max3A_27 = vector.shape_cast %reduce_max3A_26 : vector<1xf32> to vector<1x1x1xf32>
    %reduce_max3A_28 = vector.extract %reduce_max3A_27[0, 0, 0] : f32 from vector<1x1x1xf32>
    %sqrt3A = math.sqrt %reduce_max3A_28 : f32
    %add3A = arith.constant 9.99999993E-9 : f32
    %add3A_29 = arith.addf %sqrt3A, %add3A : f32
    %mul3A_30 = arith.mulf %add3A_29, %add3A_29 : f32
    %mul3A_31 = arith.constant 6.553600e+04 : f32
    %mul3A_32 = arith.mulf %mul3A_31, %add3A_29 : f32
    %div3A_33 = vector.broadcast %mul3A_32 : f32 to vector<1x256xf32>
    %div3A_34 = arith.divf %get3A_9, %div3A_33 : vector<1x256xf32>
    %mul3A_35 = arith.constant 8.192000e+03 : f32
    %mul3A_36 = arith.mulf %mul3A_35, %add3A_29 : f32
    %div3A_37 = vector.broadcast %mul3A_36 : f32 to vector<1x256xf32>
    %div3A_38 = arith.divf %get3A_12, %div3A_37 : vector<1x256xf32>
    %sub3A_39 = arith.subf %div3A_34, %div3A_38 : vector<1x256xf32>
    %mul3A_40 = arith.mulf %sub3A_39, %sub3A_39 : vector<1x256xf32>
    %reduce_sum3A_41 = vector.shape_cast %mul3A_40 : vector<1x256xf32> to vector<1x1x256xf32>
    %reduce_sum3A_42 = arith.constant dense<0.000000e+00> : vector<1xf32>
    %reduce_sum3A_43 = vector.multi_reduction <add>, %reduce_sum3A_41, %reduce_sum3A_42 [1, 2] : vector<1x1x256xf32> to vector<1xf32>
    %reduce_sum3A_44 = vector.shape_cast %reduce_sum3A_43 : vector<1xf32> to vector<1x1x1xf32>
    %reduce_sum3A_45 = vector.extract %reduce_sum3A_44[0, 0, 0] : f32 from vector<1x1x1xf32>
    %div3A_46 = vector.broadcast %mul3A_30 : f32 to vector<256x256xf32>
    %div3A_47 = arith.divf %get3A_3, %div3A_46 : vector<256x256xf32>
    %transpose3A = tpu.transpose %div3A_34, [1, 0] : vector<1x256xf32> -> vector<256x1xf32>
    %mul3A_48 = vector.broadcast %transpose3A : vector<256x1xf32> to vector<256x256xf32>
    %mul3A_49 = vector.broadcast %div3A_34 : vector<1x256xf32> to vector<256x256xf32>
    %mul3A_50 = arith.mulf %mul3A_48, %mul3A_49 : vector<256x256xf32>
    %mul3A_51 = arith.constant 6.553600e+04 : f32
    %mul3A_52 = vector.broadcast %mul3A_51 : f32 to vector<256x256xf32>
    %mul3A_53 = arith.mulf %mul3A_52, %mul3A_50 : vector<256x256xf32>
    %sub3A_54 = arith.subf %div3A_47, %mul3A_53 : vector<256x256xf32>
    %sub3A_55 = arith.constant 6.553600e+04 : f32
    %sub3A_56 = arith.constant 1.000000e+00 : f32
    %sub3A_57 = arith.subf %sub3A_55, %sub3A_56 : f32
    %div3A_58 = vector.broadcast %sub3A_57 : f32 to vector<256x256xf32>
    %div3A_59 = arith.divf %sub3A_54, %div3A_58 : vector<256x256xf32>
    %mul3A_60 = arith.constant 9.99999997E-7 : f32
    %mul3A_61 = vector.broadcast %mul3A_60 : f32 to vector<256x256xf32>
    %mul3A_62 = arith.mulf %mul3A_61, %convert_element_type3A_1 : vector<256x256xf32>
    %add3A_63 = arith.addf %div3A_59, %mul3A_62 : vector<256x256xf32>
    %div3A_64 = vector.broadcast %mul3A_30 : f32 to vector<256x256xf32>
    %div3A_65 = arith.divf %get3A_6, %div3A_64 : vector<256x256xf32>
    %transpose3A_66 = tpu.transpose %div3A_38, [1, 0] : vector<1x256xf32> -> vector<256x1xf32>
    %mul3A_67 = vector.broadcast %transpose3A_66 : vector<256x1xf32> to vector<256x256xf32>
    %mul3A_68 = vector.broadcast %div3A_38 : vector<1x256xf32> to vector<256x256xf32>
    %mul3A_69 = arith.mulf %mul3A_67, %mul3A_68 : vector<256x256xf32>
    %mul3A_70 = arith.constant 8.192000e+03 : f32
    %mul3A_71 = vector.broadcast %mul3A_70 : f32 to vector<256x256xf32>
    %mul3A_72 = arith.mulf %mul3A_71, %mul3A_69 : vector<256x256xf32>
    %sub3A_73 = arith.subf %div3A_65, %mul3A_72 : vector<256x256xf32>
    %sub3A_74 = arith.constant 8.192000e+03 : f32
    %sub3A_75 = arith.constant 1.000000e+00 : f32
    %sub3A_76 = arith.subf %sub3A_74, %sub3A_75 : f32
    %div3A_77 = vector.broadcast %sub3A_76 : f32 to vector<256x256xf32>
    %div3A_78 = arith.divf %sub3A_73, %div3A_77 : vector<256x256xf32>
    %mul3A_79 = arith.constant 9.99999997E-7 : f32
    %mul3A_80 = vector.broadcast %mul3A_79 : f32 to vector<256x256xf32>
    %mul3A_81 = arith.mulf %mul3A_80, %convert_element_type3A_1 : vector<256x256xf32>
    %add3A_82 = arith.addf %div3A_78, %mul3A_81 : vector<256x256xf32>
    %add3A_83 = arith.addf %add3A_63, %add3A_82 : vector<256x256xf32>
    %mul3A_84 = arith.mulf %add3A_83, %convert_element_type3A_1 : vector<256x256xf32>
    %reduce_sum3A_85 = vector.shape_cast %mul3A_84 : vector<256x256xf32> to vector<1x256x256xf32>
    %reduce_sum3A_86 = arith.constant dense<0.000000e+00> : vector<1xf32>
    %reduce_sum3A_87 = vector.multi_reduction <add>, %reduce_sum3A_85, %reduce_sum3A_86 [1, 2] : vector<1x256x256xf32> to vector<1xf32>
    %reduce_sum3A_88 = vector.shape_cast %reduce_sum3A_87 : vector<1xf32> to vector<1x1x1xf32>
    %reduce_sum3A_89 = vector.extract %reduce_sum3A_88[0, 0, 0] : f32 from vector<1x1x1xf32>
    %dot_general3A = arith.constant dense<0.000000e+00> : vector<256x256xf32>
    %dot_general3A_90 = tpu.matmul %add3A_63, %add3A_82, %dot_general3A {dimension_numbers = #tpu.dot_dimension_numbers<[1], [0], [0], [1], [0, 0, 1, 1], [], []>, transpose_lhs_hint = false} : vector<256x256xf32>, vector<256x256xf32>, vector<256x256xf32> -> vector<256x256xf32>
    %mul3A_91 = arith.mulf %dot_general3A_90, %dot_general3A_90 : vector<256x256xf32>
    %reduce_sum3A_92 = vector.shape_cast %mul3A_91 : vector<256x256xf32> to vector<1x256x256xf32>
    %reduce_sum3A_93 = arith.constant dense<0.000000e+00> : vector<1xf32>
    %reduce_sum3A_94 = vector.multi_reduction <add>, %reduce_sum3A_92, %reduce_sum3A_93 [1, 2] : vector<1x256x256xf32> to vector<1xf32>
    %reduce_sum3A_95 = vector.shape_cast %reduce_sum3A_94 : vector<1xf32> to vector<1x1x1xf32>
    %reduce_sum3A_96 = vector.extract %reduce_sum3A_95[0, 0, 0] : f32 from vector<1x1x1xf32>
    %sqrt3A_97 = math.sqrt %reduce_sum3A_96 : f32
    %div3A_98 = vector.broadcast %sqrt3A_97 : f32 to vector<256x256xf32>
    %div3A_99 = arith.divf %dot_general3A_90, %div3A_98 : vector<256x256xf32>
    %mul3A_100 = arith.constant 1.500000e+00 : f32
    %mul3A_101 = vector.broadcast %mul3A_100 : f32 to vector<256x256xf32>
    %mul3A_102 = arith.mulf %mul3A_101, %convert_element_type3A_1 : vector<256x256xf32>
    %dot_general3A_103 = arith.constant dense<0.000000e+00> : vector<256x256xf32>
    %dot_general3A_104 = tpu.matmul %convert_element_type3A_1, %div3A_99, %dot_general3A_103 {dimension_numbers = #tpu.dot_dimension_numbers<[1], [0], [0], [1], [0, 0, 1, 1], [], []>, transpose_lhs_hint = false} : vector<256x256xf32>, vector<256x256xf32>, vector<256x256xf32> -> vector<256x256xf32>
    %mul3A_105 = arith.constant 5.000000e-01 : f32
    %mul3A_106 = vector.broadcast %mul3A_105 : f32 to vector<256x256xf32>
    %mul3A_107 = arith.mulf %mul3A_106, %dot_general3A_104 : vector<256x256xf32>
    %sub3A_108 = arith.subf %mul3A_102, %mul3A_107 : vector<256x256xf32>
    %dot_general3A_109 = arith.constant dense<0.000000e+00> : vector<256x256xf32>
    %dot_general3A_110 = tpu.matmul %div3A_99, %sub3A_108, %dot_general3A_109 {dimension_numbers = #tpu.dot_dimension_numbers<[1], [0], [0], [1], [0, 0, 1, 1], [], []>, transpose_lhs_hint = false} : vector<256x256xf32>, vector<256x256xf32>, vector<256x256xf32> -> vector<256x256xf32>
    %dot_general3A_111 = arith.constant dense<0.000000e+00> : vector<256x256xf32>
    %dot_general3A_112 = tpu.matmul %sub3A_108, %convert_element_type3A_1, %dot_general3A_111 {dimension_numbers = #tpu.dot_dimension_numbers<[1], [0], [0], [1], [0, 0, 1, 1], [], []>, transpose_lhs_hint = false} : vector<256x256xf32>, vector<256x256xf32>, vector<256x256xf32> -> vector<256x256xf32>
    %mul3A_113 = arith.constant 1.500000e+00 : f32
    %mul3A_114 = vector.broadcast %mul3A_113 : f32 to vector<256x256xf32>
    %mul3A_115 = arith.mulf %mul3A_114, %convert_element_type3A_1 : vector<256x256xf32>
    %dot_general3A_116 = arith.constant dense<0.000000e+00> : vector<256x256xf32>
    %dot_general3A_117 = tpu.matmul %dot_general3A_112, %dot_general3A_110, %dot_general3A_116 {dimension_numbers = #tpu.dot_dimension_numbers<[1], [0], [0], [1], [0, 0, 1, 1], [], []>, transpose_lhs_hint = false} : vector<256x256xf32>, vector<256x256xf32>, vector<256x256xf32> -> vector<256x256xf32>
    %mul3A_118 = arith.constant 5.000000e-01 : f32
    %mul3A_119 = vector.broadcast %mul3A_118 : f32 to vector<256x256xf32>
    %mul3A_120 = arith.mulf %mul3A_119, %dot_general3A_117 : vector<256x256xf32>
    %sub3A_121 = arith.subf %mul3A_115, %mul3A_120 : vector<256x256xf32>
    %dot_general3A_122 = arith.constant dense<0.000000e+00> : vector<256x256xf32>
    %dot_general3A_123 = tpu.matmul %dot_general3A_110, %sub3A_121, %dot_general3A_122 {dimension_numbers = #tpu.dot_dimension_numbers<[1], [0], [0], [1], [0, 0, 1, 1], [], []>, transpose_lhs_hint = false} : vector<256x256xf32>, vector<256x256xf32>, vector<256x256xf32> -> vector<256x256xf32>
    %dot_general3A_124 = arith.constant dense<0.000000e+00> : vector<256x256xf32>
    %dot_general3A_125 = tpu.matmul %sub3A_121, %dot_general3A_112, %dot_general3A_124 {dimension_numbers = #tpu.dot_dimension_numbers<[1], [0], [0], [1], [0, 0, 1, 1], [], []>, transpose_lhs_hint = false} : vector<256x256xf32>, vector<256x256xf32>, vector<256x256xf32> -> vector<256x256xf32>
    %mul3A_126 = arith.constant 1.500000e+00 : f32
    %mul3A_127 = vector.broadcast %mul3A_126 : f32 to vector<256x256xf32>
    %mul3A_128 = arith.mulf %mul3A_127, %convert_element_type3A_1 : vector<256x256xf32>
    %dot_general3A_129 = arith.constant dense<0.000000e+00> : vector<256x256xf32>
    %dot_general3A_130 = tpu.matmul %dot_general3A_125, %dot_general3A_123, %dot_general3A_129 {dimension_numbers = #tpu.dot_dimension_numbers<[1], [0], [0], [1], [0, 0, 1, 1], [], []>, transpose_lhs_hint = false} : vector<256x256xf32>, vector<256x256xf32>, vector<256x256xf32> -> vector<256x256xf32>
    %mul3A_131 = arith.constant 5.000000e-01 : f32
    %mul3A_132 = vector.broadcast %mul3A_131 : f32 to vector<256x256xf32>
    %mul3A_133 = arith.mulf %mul3A_132, %dot_general3A_130 : vector<256x256xf32>
    %sub3A_134 = arith.subf %mul3A_128, %mul3A_133 : vector<256x256xf32>
    %dot_general3A_135 = arith.constant dense<0.000000e+00> : vector<256x256xf32>
    %dot_general3A_136 = tpu.matmul %dot_general3A_123, %sub3A_134, %dot_general3A_135 {dimension_numbers = #tpu.dot_dimension_numbers<[1], [0], [0], [1], [0, 0, 1, 1], [], []>, transpose_lhs_hint = false} : vector<256x256xf32>, vector<256x256xf32>, vector<256x256xf32> -> vector<256x256xf32>
    %dot_general3A_137 = arith.constant dense<0.000000e+00> : vector<256x256xf32>
    %dot_general3A_138 = tpu.matmul %sub3A_134, %dot_general3A_125, %dot_general3A_137 {dimension_numbers = #tpu.dot_dimension_numbers<[1], [0], [0], [1], [0, 0, 1, 1], [], []>, transpose_lhs_hint = false} : vector<256x256xf32>, vector<256x256xf32>, vector<256x256xf32> -> vector<256x256xf32>
    %mul3A_139 = arith.constant 1.500000e+00 : f32
    %mul3A_140 = vector.broadcast %mul3A_139 : f32 to vector<256x256xf32>
    %mul3A_141 = arith.mulf %mul3A_140, %convert_element_type3A_1 : vector<256x256xf32>
    %dot_general3A_142 = arith.constant dense<0.000000e+00> : vector<256x256xf32>
    %dot_general3A_143 = tpu.matmul %dot_general3A_138, %dot_general3A_136, %dot_general3A_142 {dimension_numbers = #tpu.dot_dimension_numbers<[1], [0], [0], [1], [0, 0, 1, 1], [], []>, transpose_lhs_hint = false} : vector<256x256xf32>, vector<256x256xf32>, vector<256x256xf32> -> vector<256x256xf32>
    %mul3A_144 = arith.constant 5.000000e-01 : f32
    %mul3A_145 = vector.broadcast %mul3A_144 : f32 to vector<256x256xf32>
    %mul3A_146 = arith.mulf %mul3A_145, %dot_general3A_143 : vector<256x256xf32>
    %sub3A_147 = arith.subf %mul3A_141, %mul3A_146 : vector<256x256xf32>
    %dot_general3A_148 = arith.constant dense<0.000000e+00> : vector<256x256xf32>
    %dot_general3A_149 = tpu.matmul %dot_general3A_136, %sub3A_147, %dot_general3A_148 {dimension_numbers = #tpu.dot_dimension_numbers<[1], [0], [0], [1], [0, 0, 1, 1], [], []>, transpose_lhs_hint = false} : vector<256x256xf32>, vector<256x256xf32>, vector<256x256xf32> -> vector<256x256xf32>
    %dot_general3A_150 = arith.constant dense<0.000000e+00> : vector<256x256xf32>
    %dot_general3A_151 = tpu.matmul %sub3A_147, %dot_general3A_138, %dot_general3A_150 {dimension_numbers = #tpu.dot_dimension_numbers<[1], [0], [0], [1], [0, 0, 1, 1], [], []>, transpose_lhs_hint = false} : vector<256x256xf32>, vector<256x256xf32>, vector<256x256xf32> -> vector<256x256xf32>
    %mul3A_152 = arith.constant 1.500000e+00 : f32
    %mul3A_153 = vector.broadcast %mul3A_152 : f32 to vector<256x256xf32>
    %mul3A_154 = arith.mulf %mul3A_153, %convert_element_type3A_1 : vector<256x256xf32>
    %dot_general3A_155 = arith.constant dense<0.000000e+00> : vector<256x256xf32>
    %dot_general3A_156 = tpu.matmul %dot_general3A_151, %dot_general3A_149, %dot_general3A_155 {dimension_numbers = #tpu.dot_dimension_numbers<[1], [0], [0], [1], [0, 0, 1, 1], [], []>, transpose_lhs_hint = false} : vector<256x256xf32>, vector<256x256xf32>, vector<256x256xf32> -> vector<256x256xf32>
    %mul3A_157 = arith.constant 5.000000e-01 : f32
    %mul3A_158 = vector.broadcast %mul3A_157 : f32 to vector<256x256xf32>
    %mul3A_159 = arith.mulf %mul3A_158, %dot_general3A_156 : vector<256x256xf32>
    %sub3A_160 = arith.subf %mul3A_154, %mul3A_159 : vector<256x256xf32>
    %dot_general3A_161 = arith.constant dense<0.000000e+00> : vector<256x256xf32>
    %dot_general3A_162 = tpu.matmul %dot_general3A_149, %sub3A_160, %dot_general3A_161 {dimension_numbers = #tpu.dot_dimension_numbers<[1], [0], [0], [1], [0, 0, 1, 1], [], []>, transpose_lhs_hint = false} : vector<256x256xf32>, vector<256x256xf32>, vector<256x256xf32> -> vector<256x256xf32>
    %dot_general3A_163 = arith.constant dense<0.000000e+00> : vector<256x256xf32>
    %dot_general3A_164 = tpu.matmul %sub3A_160, %dot_general3A_151, %dot_general3A_163 {dimension_numbers = #tpu.dot_dimension_numbers<[1], [0], [0], [1], [0, 0, 1, 1], [], []>, transpose_lhs_hint = false} : vector<256x256xf32>, vector<256x256xf32>, vector<256x256xf32> -> vector<256x256xf32>
    %mul3A_165 = arith.constant 1.500000e+00 : f32
    %mul3A_166 = vector.broadcast %mul3A_165 : f32 to vector<256x256xf32>
    %mul3A_167 = arith.mulf %mul3A_166, %convert_element_type3A_1 : vector<256x256xf32>
    %dot_general3A_168 = arith.constant dense<0.000000e+00> : vector<256x256xf32>
    %dot_general3A_169 = tpu.matmul %dot_general3A_164, %dot_general3A_162, %dot_general3A_168 {dimension_numbers = #tpu.dot_dimension_numbers<[1], [0], [0], [1], [0, 0, 1, 1], [], []>, transpose_lhs_hint = false} : vector<256x256xf32>, vector<256x256xf32>, vector<256x256xf32> -> vector<256x256xf32>
    %mul3A_170 = arith.constant 5.000000e-01 : f32
    %mul3A_171 = vector.broadcast %mul3A_170 : f32 to vector<256x256xf32>
    %mul3A_172 = arith.mulf %mul3A_171, %dot_general3A_169 : vector<256x256xf32>
    %sub3A_173 = arith.subf %mul3A_167, %mul3A_172 : vector<256x256xf32>
    %dot_general3A_174 = arith.constant dense<0.000000e+00> : vector<256x256xf32>
    %dot_general3A_175 = tpu.matmul %dot_general3A_162, %sub3A_173, %dot_general3A_174 {dimension_numbers = #tpu.dot_dimension_numbers<[1], [0], [0], [1], [0, 0, 1, 1], [], []>, transpose_lhs_hint = false} : vector<256x256xf32>, vector<256x256xf32>, vector<256x256xf32> -> vector<256x256xf32>
    %dot_general3A_176 = arith.constant dense<0.000000e+00> : vector<256x256xf32>
    %dot_general3A_177 = tpu.matmul %sub3A_173, %dot_general3A_164, %dot_general3A_176 {dimension_numbers = #tpu.dot_dimension_numbers<[1], [0], [0], [1], [0, 0, 1, 1], [], []>, transpose_lhs_hint = false} : vector<256x256xf32>, vector<256x256xf32>, vector<256x256xf32> -> vector<256x256xf32>
    %mul3A_178 = arith.constant 1.500000e+00 : f32
    %mul3A_179 = vector.broadcast %mul3A_178 : f32 to vector<256x256xf32>
    %mul3A_180 = arith.mulf %mul3A_179, %convert_element_type3A_1 : vector<256x256xf32>
    %dot_general3A_181 = arith.constant dense<0.000000e+00> : vector<256x256xf32>
    %dot_general3A_182 = tpu.matmul %dot_general3A_177, %dot_general3A_175, %dot_general3A_181 {dimension_numbers = #tpu.dot_dimension_numbers<[1], [0], [0], [1], [0, 0, 1, 1], [], []>, transpose_lhs_hint = false} : vector<256x256xf32>, vector<256x256xf32>, vector<256x256xf32> -> vector<256x256xf32>
    %mul3A_183 = arith.constant 5.000000e-01 : f32
    %mul3A_184 = vector.broadcast %mul3A_183 : f32 to vector<256x256xf32>
    %mul3A_185 = arith.mulf %mul3A_184, %dot_general3A_182 : vector<256x256xf32>
    %sub3A_186 = arith.subf %mul3A_180, %mul3A_185 : vector<256x256xf32>
    %dot_general3A_187 = arith.constant dense<0.000000e+00> : vector<256x256xf32>
    %dot_general3A_188 = tpu.matmul %dot_general3A_175, %sub3A_186, %dot_general3A_187 {dimension_numbers = #tpu.dot_dimension_numbers<[1], [0], [0], [1], [0, 0, 1, 1], [], []>, transpose_lhs_hint = false} : vector<256x256xf32>, vector<256x256xf32>, vector<256x256xf32> -> vector<256x256xf32>
    %dot_general3A_189 = arith.constant dense<0.000000e+00> : vector<256x256xf32>
    %dot_general3A_190 = tpu.matmul %sub3A_186, %dot_general3A_177, %dot_general3A_189 {dimension_numbers = #tpu.dot_dimension_numbers<[1], [0], [0], [1], [0, 0, 1, 1], [], []>, transpose_lhs_hint = false} : vector<256x256xf32>, vector<256x256xf32>, vector<256x256xf32> -> vector<256x256xf32>
    %mul3A_191 = arith.constant 1.500000e+00 : f32
    %mul3A_192 = vector.broadcast %mul3A_191 : f32 to vector<256x256xf32>
    %mul3A_193 = arith.mulf %mul3A_192, %convert_element_type3A_1 : vector<256x256xf32>
    %dot_general3A_194 = arith.constant dense<0.000000e+00> : vector<256x256xf32>
    %dot_general3A_195 = tpu.matmul %dot_general3A_190, %dot_general3A_188, %dot_general3A_194 {dimension_numbers = #tpu.dot_dimension_numbers<[1], [0], [0], [1], [0, 0, 1, 1], [], []>, transpose_lhs_hint = false} : vector<256x256xf32>, vector<256x256xf32>, vector<256x256xf32> -> vector<256x256xf32>
    %mul3A_196 = arith.constant 5.000000e-01 : f32
    %mul3A_197 = vector.broadcast %mul3A_196 : f32 to vector<256x256xf32>
    %mul3A_198 = arith.mulf %mul3A_197, %dot_general3A_195 : vector<256x256xf32>
    %sub3A_199 = arith.subf %mul3A_193, %mul3A_198 : vector<256x256xf32>
    %dot_general3A_200 = arith.constant dense<0.000000e+00> : vector<256x256xf32>
    %dot_general3A_201 = tpu.matmul %dot_general3A_188, %sub3A_199, %dot_general3A_200 {dimension_numbers = #tpu.dot_dimension_numbers<[1], [0], [0], [1], [0, 0, 1, 1], [], []>, transpose_lhs_hint = false} : vector<256x256xf32>, vector<256x256xf32>, vector<256x256xf32> -> vector<256x256xf32>
    %dot_general3A_202 = arith.constant dense<0.000000e+00> : vector<256x256xf32>
    %dot_general3A_203 = tpu.matmul %sub3A_199, %dot_general3A_190, %dot_general3A_202 {dimension_numbers = #tpu.dot_dimension_numbers<[1], [0], [0], [1], [0, 0, 1, 1], [], []>, transpose_lhs_hint = false} : vector<256x256xf32>, vector<256x256xf32>, vector<256x256xf32> -> vector<256x256xf32>
    %mul3A_204 = arith.constant 1.500000e+00 : f32
    %mul3A_205 = vector.broadcast %mul3A_204 : f32 to vector<256x256xf32>
    %mul3A_206 = arith.mulf %mul3A_205, %convert_element_type3A_1 : vector<256x256xf32>
    %dot_general3A_207 = arith.constant dense<0.000000e+00> : vector<256x256xf32>
    %dot_general3A_208 = tpu.matmul %dot_general3A_203, %dot_general3A_201, %dot_general3A_207 {dimension_numbers = #tpu.dot_dimension_numbers<[1], [0], [0], [1], [0, 0, 1, 1], [], []>, transpose_lhs_hint = false} : vector<256x256xf32>, vector<256x256xf32>, vector<256x256xf32> -> vector<256x256xf32>
    %mul3A_209 = arith.constant 5.000000e-01 : f32
    %mul3A_210 = vector.broadcast %mul3A_209 : f32 to vector<256x256xf32>
    %mul3A_211 = arith.mulf %mul3A_210, %dot_general3A_208 : vector<256x256xf32>
    %sub3A_212 = arith.subf %mul3A_206, %mul3A_211 : vector<256x256xf32>
    %dot_general3A_213 = arith.constant dense<0.000000e+00> : vector<256x256xf32>
    %dot_general3A_214 = tpu.matmul %dot_general3A_201, %sub3A_212, %dot_general3A_213 {dimension_numbers = #tpu.dot_dimension_numbers<[1], [0], [0], [1], [0, 0, 1, 1], [], []>, transpose_lhs_hint = false} : vector<256x256xf32>, vector<256x256xf32>, vector<256x256xf32> -> vector<256x256xf32>
    %dot_general3A_215 = arith.constant dense<0.000000e+00> : vector<256x256xf32>
    %dot_general3A_216 = tpu.matmul %sub3A_212, %dot_general3A_203, %dot_general3A_215 {dimension_numbers = #tpu.dot_dimension_numbers<[1], [0], [0], [1], [0, 0, 1, 1], [], []>, transpose_lhs_hint = false} : vector<256x256xf32>, vector<256x256xf32>, vector<256x256xf32> -> vector<256x256xf32>
    %mul3A_217 = arith.constant 1.500000e+00 : f32
    %mul3A_218 = vector.broadcast %mul3A_217 : f32 to vector<256x256xf32>
    %mul3A_219 = arith.mulf %mul3A_218, %convert_element_type3A_1 : vector<256x256xf32>
    %dot_general3A_220 = arith.constant dense<0.000000e+00> : vector<256x256xf32>
    %dot_general3A_221 = tpu.matmul %dot_general3A_216, %dot_general3A_214, %dot_general3A_220 {dimension_numbers = #tpu.dot_dimension_numbers<[1], [0], [0], [1], [0, 0, 1, 1], [], []>, transpose_lhs_hint = false} : vector<256x256xf32>, vector<256x256xf32>, vector<256x256xf32> -> vector<256x256xf32>
    %mul3A_222 = arith.constant 5.000000e-01 : f32
    %mul3A_223 = vector.broadcast %mul3A_222 : f32 to vector<256x256xf32>
    %mul3A_224 = arith.mulf %mul3A_223, %dot_general3A_221 : vector<256x256xf32>
    %sub3A_225 = arith.subf %mul3A_219, %mul3A_224 : vector<256x256xf32>
    %dot_general3A_226 = arith.constant dense<0.000000e+00> : vector<256x256xf32>
    %dot_general3A_227 = tpu.matmul %dot_general3A_214, %sub3A_225, %dot_general3A_226 {dimension_numbers = #tpu.dot_dimension_numbers<[1], [0], [0], [1], [0, 0, 1, 1], [], []>, transpose_lhs_hint = false} : vector<256x256xf32>, vector<256x256xf32>, vector<256x256xf32> -> vector<256x256xf32>
    %dot_general3A_228 = arith.constant dense<0.000000e+00> : vector<256x256xf32>
    %dot_general3A_229 = tpu.matmul %sub3A_225, %dot_general3A_216, %dot_general3A_228 {dimension_numbers = #tpu.dot_dimension_numbers<[1], [0], [0], [1], [0, 0, 1, 1], [], []>, transpose_lhs_hint = false} : vector<256x256xf32>, vector<256x256xf32>, vector<256x256xf32> -> vector<256x256xf32>
    %mul3A_230 = arith.constant 1.500000e+00 : f32
    %mul3A_231 = vector.broadcast %mul3A_230 : f32 to vector<256x256xf32>
    %mul3A_232 = arith.mulf %mul3A_231, %convert_element_type3A_1 : vector<256x256xf32>
    %dot_general3A_233 = arith.constant dense<0.000000e+00> : vector<256x256xf32>
    %dot_general3A_234 = tpu.matmul %dot_general3A_229, %dot_general3A_227, %dot_general3A_233 {dimension_numbers = #tpu.dot_dimension_numbers<[1], [0], [0], [1], [0, 0, 1, 1], [], []>, transpose_lhs_hint = false} : vector<256x256xf32>, vector<256x256xf32>, vector<256x256xf32> -> vector<256x256xf32>
    %mul3A_235 = arith.constant 5.000000e-01 : f32
    %mul3A_236 = vector.broadcast %mul3A_235 : f32 to vector<256x256xf32>
    %mul3A_237 = arith.mulf %mul3A_236, %dot_general3A_234 : vector<256x256xf32>
    %sub3A_238 = arith.subf %mul3A_232, %mul3A_237 : vector<256x256xf32>
    %dot_general3A_239 = arith.constant dense<0.000000e+00> : vector<256x256xf32>
    %dot_general3A_240 = tpu.matmul %dot_general3A_227, %sub3A_238, %dot_general3A_239 {dimension_numbers = #tpu.dot_dimension_numbers<[1], [0], [0], [1], [0, 0, 1, 1], [], []>, transpose_lhs_hint = false} : vector<256x256xf32>, vector<256x256xf32>, vector<256x256xf32> -> vector<256x256xf32>
    %dot_general3A_241 = arith.constant dense<0.000000e+00> : vector<256x256xf32>
    %dot_general3A_242 = tpu.matmul %sub3A_238, %dot_general3A_229, %dot_general3A_241 {dimension_numbers = #tpu.dot_dimension_numbers<[1], [0], [0], [1], [0, 0, 1, 1], [], []>, transpose_lhs_hint = false} : vector<256x256xf32>, vector<256x256xf32>, vector<256x256xf32> -> vector<256x256xf32>
    %mul3A_243 = arith.constant 1.500000e+00 : f32
    %mul3A_244 = vector.broadcast %mul3A_243 : f32 to vector<256x256xf32>
    %mul3A_245 = arith.mulf %mul3A_244, %convert_element_type3A_1 : vector<256x256xf32>
    %dot_general3A_246 = arith.constant dense<0.000000e+00> : vector<256x256xf32>
    %dot_general3A_247 = tpu.matmul %dot_general3A_242, %dot_general3A_240, %dot_general3A_246 {dimension_numbers = #tpu.dot_dimension_numbers<[1], [0], [0], [1], [0, 0, 1, 1], [], []>, transpose_lhs_hint = false} : vector<256x256xf32>, vector<256x256xf32>, vector<256x256xf32> -> vector<256x256xf32>
    %mul3A_248 = arith.constant 5.000000e-01 : f32
    %mul3A_249 = vector.broadcast %mul3A_248 : f32 to vector<256x256xf32>
    %mul3A_250 = arith.mulf %mul3A_249, %dot_general3A_247 : vector<256x256xf32>
    %sub3A_251 = arith.subf %mul3A_245, %mul3A_250 : vector<256x256xf32>
    %dot_general3A_252 = arith.constant dense<0.000000e+00> : vector<256x256xf32>
    %dot_general3A_253 = tpu.matmul %dot_general3A_240, %sub3A_251, %dot_general3A_252 {dimension_numbers = #tpu.dot_dimension_numbers<[1], [0], [0], [1], [0, 0, 1, 1], [], []>, transpose_lhs_hint = false} : vector<256x256xf32>, vector<256x256xf32>, vector<256x256xf32> -> vector<256x256xf32>
    %dot_general3A_254 = arith.constant dense<0.000000e+00> : vector<256x256xf32>
    %dot_general3A_255 = tpu.matmul %sub3A_251, %dot_general3A_242, %dot_general3A_254 {dimension_numbers = #tpu.dot_dimension_numbers<[1], [0], [0], [1], [0, 0, 1, 1], [], []>, transpose_lhs_hint = false} : vector<256x256xf32>, vector<256x256xf32>, vector<256x256xf32> -> vector<256x256xf32>
    %mul3A_256 = arith.constant 1.500000e+00 : f32
    %mul3A_257 = vector.broadcast %mul3A_256 : f32 to vector<256x256xf32>
    %mul3A_258 = arith.mulf %mul3A_257, %convert_element_type3A_1 : vector<256x256xf32>
    %dot_general3A_259 = arith.constant dense<0.000000e+00> : vector<256x256xf32>
    %dot_general3A_260 = tpu.matmul %dot_general3A_255, %dot_general3A_253, %dot_general3A_259 {dimension_numbers = #tpu.dot_dimension_numbers<[1], [0], [0], [1], [0, 0, 1, 1], [], []>, transpose_lhs_hint = false} : vector<256x256xf32>, vector<256x256xf32>, vector<256x256xf32> -> vector<256x256xf32>
    %mul3A_261 = arith.constant 5.000000e-01 : f32
    %mul3A_262 = vector.broadcast %mul3A_261 : f32 to vector<256x256xf32>
    %mul3A_263 = arith.mulf %mul3A_262, %dot_general3A_260 : vector<256x256xf32>
    %sub3A_264 = arith.subf %mul3A_258, %mul3A_263 : vector<256x256xf32>
    %dot_general3A_265 = arith.constant dense<0.000000e+00> : vector<256x256xf32>
    %dot_general3A_266 = tpu.matmul %dot_general3A_253, %sub3A_264, %dot_general3A_265 {dimension_numbers = #tpu.dot_dimension_numbers<[1], [0], [0], [1], [0, 0, 1, 1], [], []>, transpose_lhs_hint = false} : vector<256x256xf32>, vector<256x256xf32>, vector<256x256xf32> -> vector<256x256xf32>
    %dot_general3A_267 = arith.constant dense<0.000000e+00> : vector<256x256xf32>
    %dot_general3A_268 = tpu.matmul %sub3A_264, %dot_general3A_255, %dot_general3A_267 {dimension_numbers = #tpu.dot_dimension_numbers<[1], [0], [0], [1], [0, 0, 1, 1], [], []>, transpose_lhs_hint = false} : vector<256x256xf32>, vector<256x256xf32>, vector<256x256xf32> -> vector<256x256xf32>
    %mul3A_269 = arith.constant 1.500000e+00 : f32
    %mul3A_270 = vector.broadcast %mul3A_269 : f32 to vector<256x256xf32>
    %mul3A_271 = arith.mulf %mul3A_270, %convert_element_type3A_1 : vector<256x256xf32>
    %dot_general3A_272 = arith.constant dense<0.000000e+00> : vector<256x256xf32>
    %dot_general3A_273 = tpu.matmul %dot_general3A_268, %dot_general3A_266, %dot_general3A_272 {dimension_numbers = #tpu.dot_dimension_numbers<[1], [0], [0], [1], [0, 0, 1, 1], [], []>, transpose_lhs_hint = false} : vector<256x256xf32>, vector<256x256xf32>, vector<256x256xf32> -> vector<256x256xf32>
    %mul3A_274 = arith.constant 5.000000e-01 : f32
    %mul3A_275 = vector.broadcast %mul3A_274 : f32 to vector<256x256xf32>
    %mul3A_276 = arith.mulf %mul3A_275, %dot_general3A_273 : vector<256x256xf32>
    %sub3A_277 = arith.subf %mul3A_271, %mul3A_276 : vector<256x256xf32>
    %dot_general3A_278 = arith.constant dense<0.000000e+00> : vector<256x256xf32>
    %dot_general3A_279 = tpu.matmul %dot_general3A_266, %sub3A_277, %dot_general3A_278 {dimension_numbers = #tpu.dot_dimension_numbers<[1], [0], [0], [1], [0, 0, 1, 1], [], []>, transpose_lhs_hint = false} : vector<256x256xf32>, vector<256x256xf32>, vector<256x256xf32> -> vector<256x256xf32>
    %dot_general3A_280 = arith.constant dense<0.000000e+00> : vector<256x256xf32>
    %dot_general3A_281 = tpu.matmul %sub3A_277, %dot_general3A_268, %dot_general3A_280 {dimension_numbers = #tpu.dot_dimension_numbers<[1], [0], [0], [1], [0, 0, 1, 1], [], []>, transpose_lhs_hint = false} : vector<256x256xf32>, vector<256x256xf32>, vector<256x256xf32> -> vector<256x256xf32>
    %mul3A_282 = arith.constant 1.500000e+00 : f32
    %mul3A_283 = vector.broadcast %mul3A_282 : f32 to vector<256x256xf32>
    %mul3A_284 = arith.mulf %mul3A_283, %convert_element_type3A_1 : vector<256x256xf32>
    %dot_general3A_285 = arith.constant dense<0.000000e+00> : vector<256x256xf32>
    %dot_general3A_286 = tpu.matmul %dot_general3A_281, %dot_general3A_279, %dot_general3A_285 {dimension_numbers = #tpu.dot_dimension_numbers<[1], [0], [0], [1], [0, 0, 1, 1], [], []>, transpose_lhs_hint = false} : vector<256x256xf32>, vector<256x256xf32>, vector<256x256xf32> -> vector<256x256xf32>
    %mul3A_287 = arith.constant 5.000000e-01 : f32
    %mul3A_288 = vector.broadcast %mul3A_287 : f32 to vector<256x256xf32>
    %mul3A_289 = arith.mulf %mul3A_288, %dot_general3A_286 : vector<256x256xf32>
    %sub3A_290 = arith.subf %mul3A_284, %mul3A_289 : vector<256x256xf32>
    %dot_general3A_291 = arith.constant dense<0.000000e+00> : vector<256x256xf32>
    %dot_general3A_292 = tpu.matmul %dot_general3A_279, %sub3A_290, %dot_general3A_291 {dimension_numbers = #tpu.dot_dimension_numbers<[1], [0], [0], [1], [0, 0, 1, 1], [], []>, transpose_lhs_hint = false} : vector<256x256xf32>, vector<256x256xf32>, vector<256x256xf32> -> vector<256x256xf32>
    %dot_general3A_293 = arith.constant dense<0.000000e+00> : vector<256x256xf32>
    %dot_general3A_294 = tpu.matmul %sub3A_290, %dot_general3A_281, %dot_general3A_293 {dimension_numbers = #tpu.dot_dimension_numbers<[1], [0], [0], [1], [0, 0, 1, 1], [], []>, transpose_lhs_hint = false} : vector<256x256xf32>, vector<256x256xf32>, vector<256x256xf32> -> vector<256x256xf32>
    %mul3A_295 = arith.constant 1.500000e+00 : f32
    %mul3A_296 = vector.broadcast %mul3A_295 : f32 to vector<256x256xf32>
    %mul3A_297 = arith.mulf %mul3A_296, %convert_element_type3A_1 : vector<256x256xf32>
    %dot_general3A_298 = arith.constant dense<0.000000e+00> : vector<256x256xf32>
    %dot_general3A_299 = tpu.matmul %dot_general3A_294, %dot_general3A_292, %dot_general3A_298 {dimension_numbers = #tpu.dot_dimension_numbers<[1], [0], [0], [1], [0, 0, 1, 1], [], []>, transpose_lhs_hint = false} : vector<256x256xf32>, vector<256x256xf32>, vector<256x256xf32> -> vector<256x256xf32>
    %mul3A_300 = arith.constant 5.000000e-01 : f32
    %mul3A_301 = vector.broadcast %mul3A_300 : f32 to vector<256x256xf32>
    %mul3A_302 = arith.mulf %mul3A_301, %dot_general3A_299 : vector<256x256xf32>
    %sub3A_303 = arith.subf %mul3A_297, %mul3A_302 : vector<256x256xf32>
    %dot_general3A_304 = arith.constant dense<0.000000e+00> : vector<256x256xf32>
    %dot_general3A_305 = tpu.matmul %dot_general3A_292, %sub3A_303, %dot_general3A_304 {dimension_numbers = #tpu.dot_dimension_numbers<[1], [0], [0], [1], [0, 0, 1, 1], [], []>, transpose_lhs_hint = false} : vector<256x256xf32>, vector<256x256xf32>, vector<256x256xf32> -> vector<256x256xf32>
    %sqrt3A_306 = math.sqrt %sqrt3A_97 : f32
    %mul3A_307 = arith.mulf %dot_general3A_305, %convert_element_type3A_1 : vector<256x256xf32>
    %reduce_sum3A_308 = vector.shape_cast %mul3A_307 : vector<256x256xf32> to vector<1x256x256xf32>
    %reduce_sum3A_309 = arith.constant dense<0.000000e+00> : vector<1xf32>
    %reduce_sum3A_310 = vector.multi_reduction <add>, %reduce_sum3A_308, %reduce_sum3A_309 [1, 2] : vector<1x256x256xf32> to vector<1xf32>
    %reduce_sum3A_311 = vector.shape_cast %reduce_sum3A_310 : vector<1xf32> to vector<1x1x1xf32>
    %reduce_sum3A_312 = vector.extract %reduce_sum3A_311[0, 0, 0] : f32 from vector<1x1x1xf32>
    %mul3A_313 = arith.mulf %sqrt3A_306, %reduce_sum3A_312 : f32
    %mul3A_314 = arith.constant 2.000000e+00 : f32
    %mul3A_315 = arith.mulf %mul3A_314, %mul3A_313 : f32
    %sub3A_316 = arith.subf %reduce_sum3A_89, %mul3A_315 : f32
    %max3A = arith.constant 0.000000e+00 : f32
    %max3A_317 = arith.maximumf %sub3A_316, %max3A : f32
    %add3A_318 = arith.addf %reduce_sum3A_45, %max3A_317 : f32
    %add3A_319 = arith.constant 1.000000e-10 : f32
    %add3A_320 = arith.addf %add3A_318, %add3A_319 : f32
    %sqrt3A_321 = math.sqrt %add3A_320 : f32
    %get3A_322 = arith.constant 0 : index
    %get3A_323 = arith.constant 0 : index
    %get3A_324 = vector.load %arg5[%get3A_322, %get3A_323] : memref<1x1xf32, #tpu.memory_space<vmem>>, vector<1x1xf32>
    %reduce_sum3A_325 = vector.shape_cast %get3A_324 : vector<1x1xf32> to vector<1x1x1xf32>
    %reduce_sum3A_326 = arith.constant dense<0.000000e+00> : vector<1xf32>
    %reduce_sum3A_327 = vector.multi_reduction <add>, %reduce_sum3A_325, %reduce_sum3A_326 [1, 2] : vector<1x1x1xf32> to vector<1xf32>
    %reduce_sum3A_328 = vector.shape_cast %reduce_sum3A_327 : vector<1xf32> to vector<1x1x1xf32>
    %reduce_sum3A_329 = vector.extract %reduce_sum3A_328[0, 0, 0] : f32 from vector<1x1x1xf32>
    %mul3A_330 = arith.constant 1.638400e+04 : f32
    %mul3A_331 = arith.constant 2.560000e+02 : f32
    %mul3A_332 = arith.mulf %mul3A_330, %mul3A_331 : f32
    %div3A_333 = arith.divf %reduce_sum3A_329, %mul3A_332 : f32
    %mul3A_334 = arith.constant 2.500000e-01 : f32
    %mul3A_335 = arith.mulf %mul3A_334, %div3A_333 : f32
    %mul3A_336 = arith.constant 1.000000e+00 : f32
    %mul3A_337 = arith.mulf %mul3A_336, %div3A_333 : f32
    %add3A_338 = arith.addf %mul3A_335, %mul3A_337 : f32
    %mul3A_339 = arith.constant 1.000000e+00 : f32
    %mul3A_340 = arith.mulf %mul3A_339, %sqrt3A_321 : f32
    %add3A_341 = arith.addf %add3A_338, %mul3A_340 : f32
    %div3A_342 = arith.constant 1.638400e+04 : f32
    %div3A_343 = arith.divf %reduce_sum3A_329, %div3A_342 : f32
    %get3A_344 = arith.constant 0 : index
    %get3A_345 = arith.constant 0 : index
    %get3A_346 = vector.load %arg4[%get3A_344, %get3A_345] : memref<1x8192xf32, #tpu.memory_space<vmem>>, vector<1x8192xf32>
    %gt3A = arith.constant 0.000000e+00 : f32
    %gt3A_347 = vector.broadcast %gt3A : f32 to vector<1x8192xf32>
    %gt3A_348 = arith.cmpf ogt, %get3A_346, %gt3A_347 : vector<1x8192xf32>
    %convert_element_type3A_349 = arith.extui %gt3A_348 : vector<1x8192xi1> to vector<1x8192xi32>
    %convert_element_type3A_350 = arith.sitofp %convert_element_type3A_349 : vector<1x8192xi32> to vector<1x8192xf32>
    %reduce_sum3A_351 = vector.shape_cast %convert_element_type3A_350 : vector<1x8192xf32> to vector<1x1x8192xf32>
    %reduce_sum3A_352 = arith.constant dense<0.000000e+00> : vector<1xf32>
    %reduce_sum3A_353 = vector.multi_reduction <add>, %reduce_sum3A_351, %reduce_sum3A_352 [1, 2] : vector<1x1x8192xf32> to vector<1xf32>
    %reduce_sum3A_354 = vector.shape_cast %reduce_sum3A_353 : vector<1xf32> to vector<1x1x1xf32>
    %reduce_sum3A_355 = vector.extract %reduce_sum3A_354[0, 0, 0] : f32 from vector<1x1x1xf32>
    %div3A_356 = arith.constant 8.192000e+03 : f32
    %div3A_357 = arith.divf %reduce_sum3A_355, %div3A_356 : f32
    %reduce_sum3A_358 = vector.shape_cast %get3A_346 : vector<1x8192xf32> to vector<1x1x8192xf32>
    %reduce_sum3A_359 = arith.constant dense<0.000000e+00> : vector<1xf32>
    %reduce_sum3A_360 = vector.multi_reduction <add>, %reduce_sum3A_358, %reduce_sum3A_359 [1, 2] : vector<1x1x8192xf32> to vector<1xf32>
    %reduce_sum3A_361 = vector.shape_cast %reduce_sum3A_360 : vector<1xf32> to vector<1x1x1xf32>
    %reduce_sum3A_362 = vector.extract %reduce_sum3A_361[0, 0, 0] : f32 from vector<1x1x1xf32>
    %div3A_363 = vector.broadcast %reduce_sum3A_362 : f32 to vector<1x8192xf32>
    %div3A_364 = arith.divf %get3A_346, %div3A_363 : vector<1x8192xf32>
    %add3A_365 = arith.constant 1.000000e-10 : f32
    %add3A_366 = vector.broadcast %add3A_365 : f32 to vector<1x8192xf32>
    %add3A_367 = arith.addf %div3A_364, %add3A_366 : vector<1x8192xf32>
    %log3A = math.log %add3A_367 : vector<1x8192xf32>
    %mul3A_368 = arith.mulf %div3A_364, %log3A : vector<1x8192xf32>
    %reduce_sum3A_369 = vector.shape_cast %mul3A_368 : vector<1x8192xf32> to vector<1x1x8192xf32>
    %reduce_sum3A_370 = arith.constant dense<0.000000e+00> : vector<1xf32>
    %reduce_sum3A_371 = vector.multi_reduction <add>, %reduce_sum3A_369, %reduce_sum3A_370 [1, 2] : vector<1x1x8192xf32> to vector<1xf32>
    %reduce_sum3A_372 = vector.shape_cast %reduce_sum3A_371 : vector<1xf32> to vector<1x1x1xf32>
    %reduce_sum3A_373 = vector.extract %reduce_sum3A_372[0, 0, 0] : f32 from vector<1x1x1xf32>
    %neg3A = arith.constant 0.000000e+00 : f32
    %neg3A_374 = arith.subf %neg3A, %reduce_sum3A_373 : f32
    %exp3A = math.exp %neg3A_374 : f32
    %broadcast_in_dim3A_375 = vector.broadcast %add3A_341 : f32 to vector<1x1xf32>
    %swap3A = arith.constant 0 : index
    %swap3A_376 = arith.constant 0 : index
    %swap3A_377 = vector.load %arg6[%swap3A, %swap3A_376] : memref<1x1xf32, #tpu.memory_space<vmem>>, vector<1x1xf32>
    tpu.vector_store %arg6[%swap3A, %swap3A_376], %broadcast_in_dim3A_375 {strides = array<i32>} : memref<1x1xf32, #tpu.memory_space<vmem>>, vector<1x1xf32>,
    %broadcast_in_dim3A_378 = vector.broadcast %sqrt3A_321 : f32 to vector<1x1xf32>
    %swap3A_379 = arith.constant 0 : index
    %swap3A_380 = arith.constant 0 : index
    %swap3A_381 = vector.load %arg7[%swap3A_379, %swap3A_380] : memref<1x1xf32, #tpu.memory_space<vmem>>, vector<1x1xf32>
    tpu.vector_store %arg7[%swap3A_379, %swap3A_380], %broadcast_in_dim3A_378 {strides = array<i32>} : memref<1x1xf32, #tpu.memory_space<vmem>>, vector<1x1xf32>,
    %broadcast_in_dim3A_382 = vector.broadcast %div3A_343 : f32 to vector<1x1xf32>
    %swap3A_383 = arith.constant 0 : index
    %swap3A_384 = arith.constant 0 : index
    %swap3A_385 = vector.load %arg8[%swap3A_383, %swap3A_384] : memref<1x1xf32, #tpu.memory_space<vmem>>, vector<1x1xf32>
    tpu.vector_store %arg8[%swap3A_383, %swap3A_384], %broadcast_in_dim3A_382 {strides = array<i32>} : memref<1x1xf32, #tpu.memory_space<vmem>>, vector<1x1xf32>,
    %broadcast_in_dim3A_386 = vector.broadcast %div3A_357 : f32 to vector<1x1xf32>
    %swap3A_387 = arith.constant 0 : index
    %swap3A_388 = arith.constant 0 : index
    %swap3A_389 = vector.load %arg9[%swap3A_387, %swap3A_388] : memref<1x1xf32, #tpu.memory_space<vmem>>, vector<1x1xf32>
    tpu.vector_store %arg9[%swap3A_387, %swap3A_388], %broadcast_in_dim3A_386 {strides = array<i32>} : memref<1x1xf32, #tpu.memory_space<vmem>>, vector<1x1xf32>,
    %broadcast_in_dim3A_390 = vector.broadcast %exp3A : f32 to vector<1x1xf32>
    %swap3A_391 = arith.constant 0 : index
    %swap3A_392 = arith.constant 0 : index
    %swap3A_393 = vector.load %arg10[%swap3A_391, %swap3A_392] : memref<1x1xf32, #tpu.memory_space<vmem>>, vector<1x1xf32>
    tpu.vector_store %arg10[%swap3A_391, %swap3A_392], %broadcast_in_dim3A_390 {strides = array<i32>} : memref<1x1xf32, #tpu.memory_space<vmem>>, vector<1x1xf32>,
    return
  }
}

</mosaic_0001>

<sc_bundles>
// kernel: kernel.8.cloned.1.call-start
scs
__scs_entry_jumppad:
0x0: {  	(pc) =	sbr.rel $0x88, $3  }
0x1: {  	(tag) =	ssettag $0x0;
	lr =	simm.s32 $0x1  }
0x2: {  	[smem:$0x3F9E] =	sst lr;
	_ =	strace $0xD0000000  }
0x3: {  	_ = 	snop  }
0x4: {  	_ = 	snop  }
0x5: {  	_ = 	snop  }
0x6: {  	_ = 	snop  }
0x7: {  	_ = 	snop  }
__scs_overlays_trampoline_lowered:
0x8: {  	[smem:$0x3FAD] =	sst s0  }
0x9: {  	[smem:$0x3FAE] =	sst s1  }
0xa: {  	[smem:$0x3FAF] =	sst s2  }
0xb: {  	[smem:$0x3FB0] =	sst s3  }
0xc: {  	[smem:$0x3FB1] =	sst s4  }
0xd: {  	[smem:$0x3FB2] =	sst s5  }
0xe: {  	[smem:$0x3FB3] =	sst s6  }
0xf: {  	[smem:$0x3FB4] =	sst s7  }
0x10: {  	[smem:$0x3FB5] =	sst s8  }
0x11: {  	[smem:$0x3FB6] =	sst s9;
	s0 =	simm.s32 @!p0 $0x0  }
0x12: {  	s1 =	sld [smem:$0x3F9C];
	s0 =	simm.s32 @p0 $0x1  }
0x13: {  	[smem:$0x3FB7] =	sst s0;
	s0 =	simm.s32 @!p1 $0x0  }
0x14: {  	s2 =	sld [smem:$0x3F9B];
	s0 =	simm.s32 @p1 $0x1  }
0x15: {  	[smem:$0x3FB8] =	sst s0;
	s0 =	simm.s32 @!p2 $0x0  }
0x16: {  	s3 =	sld [smem:$0x3FDB];
	s0 =	simm.s32 @p2 $0x1  }
0x17: {  	s4 =	simm.s32 $0x1BF5;
	[smem:$0x3FBA] =	sst s0  }
0x18: {  	s0 =	sld [smem:$0x3F9D];
	_ =	swait.ge [sflag:s4], $0x0  }
0x19: {  	s7 =	sld [smem:$0x3F9E]  }
0x1a: {  	s8 =	sadd.s32 $0xFFFFE003, lr  }
0x1b: {  	s9 =	sadd.s32 $0xFFFFFEF7, lr;
	s5 =	simm.s32 $0xFFFFFFFF;
	p2 =	slt.u32 s8, $0xFFFFF086  }
0x1c: {  	p1 =	slt.u32 s9, $0xF7A;
	s5 =	simm.s32 @!p2 $0x0  }
0x1d: {  	s5 =	simm.s32 @p1 $0x1;
	p0 =	seq.s32 s7, s2  }
0x1e: {  	s7 =	smul.u32 @!p0 $0xF7A, s2;
	p2 =	seq.s32 @!p0 s5, $0x0  }
0x1f: {  	s9 =	smul.u32 $0xF7A, s1;
	s8 =	simm.s32 @!p0 $0x1BF5;
	p2 =	por !p2, p0  }
0x20: {  	[sflag:s8] =	ssyncset.s32 @!p0 $0xFFFFF086;
	s6 =	sadd.s32 @!p0 s3, s7;
	s7 =	simm.s32 @!p0 $0x108  }
0x21: {  	s3 =	sadd.s32 s3, s9;
	s6 =	sadd.s32 @!p0 $0x88, s6;
	s7 =	simm.s32 @p2 $0x1082  }
0x22: {  	[simem:s7], [sflag:s8] =	dma.local @!p0 [hbm:s6], $0xF7A  }
0x23: {  	s9 =	sor.u32 $0xD0000000, s2;
	s6 =	simm.s32 $0x108;
	_ =	swait.ge @!p0 [sflag:s8], $0x0  }
0x24: {  	s3 =	sadd.s32 $0x88, s3;
	s6 =	simm.s32 @!p1 $0x1082;
	[sflag:s4] =	ssyncset.s32 $0xFFFFF086  }
0x25: {  	[simem:s6], [sflag:s4] =	dma.local [hbm:s3], $0xF7A  }
0x26: {  	[smem:$0x3F9E] =	sst s1;
	(tag) =	ssettag s2;
	_ =	strace s9  }
0x27: {  	s1 =	sld [smem:$0x3FAE]  }
0x28: {  	s2 =	sld [smem:$0x3FAF]  }
0x29: {  	s4 =	sld [smem:$0x3FB1]  }
0x2a: {  	p0 =	seq.s32 s5, $0x0;
	s5 =	sld [smem:$0x3FB2]  }
0x2b: {  	s6 =	sld [smem:$0x3FB3]  }
0x2c: {  	s7 =	sld [smem:$0x3FB4]  }
0x2d: {  	s3 =	simm.s32 $0x108;
	s8 =	sld [smem:$0x3FB5]  }
0x2e: {  	s3 =	simm.s32 @!p0 $0x1082;
	s9 =	sld [smem:$0x3FB6]  }
0x2f: {  	lr =	sadd.s32 s0, s3;
	s0 =	sld [smem:$0x3FAD]  }
0x30: {  	s3 =	sld [smem:$0x3FB0]  }
0x31: {  	[smem:$0x3FB9] =	sst s10  }
0x32: {  	s10 =	sld [smem:$0x3FB7];
	_ =	sdelay $0x3  }
0x33: {  	p0 =	seq.s32 s10, $0x1;
	s10 =	sld [smem:$0x3FB9];
	_ =	sdelay $0x3  }
0x34: {  	[smem:$0x3FB9] =	sst s10  }
0x35: {  	s10 =	sld [smem:$0x3FB8];
	_ =	sdelay $0x3  }
0x36: {  	p1 =	seq.s32 s10, $0x1;
	s10 =	sld [smem:$0x3FB9];
	_ =	sdelay $0x3  }
0x37: {  	[smem:$0x3FB9] =	sst s10  }
0x38: {  	s10 =	sld [smem:$0x3FBA]  }
0x39: {  	_ = 	snop;
	(pc) =	sbr.ind lr, $3  }
0x3a: {  	_ = 	snop  }
0x3b: {  	_ = 	snop  }
0x3c: {  	p2 =	seq.s32 s10, $0x1;
	s10 =	sld [smem:$0x3FB9]  }
0x3d: {  	_ =	shalt  }
0x3e: {  	_ =	shalt  }
0x3f: {  	_ =	shalt  }
0x40: {  	_ =	shalt  }
0x41: {  	_ =	shalt  }
0x42: {  	_ =	shalt  }
0x43: {  	_ =	shalt  }
0x44: {  	_ =	shalt  }
0x45: {  	_ =	shalt  }
0x46: {  	_ =	shalt  }
0x47: {  	_ =	shalt  }
0x48: {  	_ =	shalt  }
0x49: {  	_ =	shalt  }
0x4a: {  	_ =	shalt  }
0x4b: {  	_ =	shalt  }
0x4c: {  	_ =	shalt  }
0x4d: {  	_ =	shalt  }
0x4e: {  	_ =	shalt  }
0x4f: {  	_ =	shalt  }
0x50: {  	_ =	shalt  }
0x51: {  	_ =	shalt  }
0x52: {  	_ =	shalt  }
0x53: {  	_ =	shalt  }
0x54: {  	_ =	shalt  }
0x55: {  	_ =	shalt  }
0x56: {  	_ =	shalt  }
0x57: {  	_ =	shalt  }
0x58: {  	_ =	shalt  }
0x59: {  	_ =	shalt  }
0x5a: {  	_ =	shalt  }
0x5b: {  	_ =	shalt  }
0x5c: {  	_ =	shalt  }
0x5d: {  	_ =	shalt  }
0x5e: {  	_ =	shalt  }
0x5f: {  	_ =	shalt  }
0x60: {  	_ =	shalt  }
0x61: {  	_ =	shalt  }
0x62: {  	_ =	shalt  }
0x63: {  	_ =	shalt  }
0x64: {  	_ =	shalt  }
0x65: {  	_ =	shalt  }
0x66: {  	_ =	shalt  }
0x67: {  	_ =	shalt  }
0x68: {  	_ =	shalt  }
0x69: {  	_ =	shalt  }
0x6a: {  	_ =	shalt  }
0x6b: {  	_ =	shalt  }
0x6c: {  	_ =	shalt  }
0x6d: {  	_ =	shalt  }
0x6e: {  	_ =	shalt  }
0x6f: {  	_ =	shalt  }
0x70: {  	_ =	shalt  }
0x71: {  	_ =	shalt  }
0x72: {  	_ =	shalt  }
0x73: {  	_ =	shalt  }
0x74: {  	_ =	shalt  }
0x75: {  	_ =	shalt  }
0x76: {  	_ =	shalt  }
0x77: {  	_ =	shalt  }
0x78: {  	_ =	shalt  }
0x79: {  	_ =	shalt  }
0x7a: {  	_ =	shalt  }
0x7b: {  	_ =	shalt  }
0x7c: {  	_ =	shalt  }
0x7d: {  	_ =	shalt  }
0x7e: {  	_ =	shalt  }
0x7f: {  	_ =	shalt  }
0x80: {  	_ =	shalt  }
0x81: {  	_ =	shalt  }
0x82: {  	_ =	shalt  }
0x83: {  	_ =	shalt  }
0x84: {  	_ =	shalt  }
0x85: {  	_ =	shalt  }
0x86: {  	_ =	shalt  }
0x87: {  	_ =	shalt  }
.Lfunc_end0:
.L_simem_size_0:
called_computation_lowered:
.L_overlay_start_0:
0x88: {  	s2 =	sld [smem:$0x3FD9]  }
0x89: {  	s3 =	sld [smem:$0x3FFE];
	_ =	sdelay $0x1  }
0x8a: {  	s1 =	srdreg.scid  }
0x8b: {  	s0 =	sand.u32 $0x1, s1  }
0x8c: {  	s14 =	sshll.u32 s0, $0xA;
	s2 =	sadd.s32 s3, s2  }
0x8d: {  	s2 =	sadd.s32 s2, s14  }
0x8e: {  	[smem:$0x3FC5] =	sst s2  }
0x8f: {  	_ = 	snop  }
0x90: {  	s2 =	sld [smem:$0x3FD0];
	_ =	sdelay $0x2  }
0x91: {  	s4 =	simm.s32 $0xA;
	s5 =	simm.s32 $0x10;
	s15 =	sld [smem:$0x3FC8]  }
0x92: {  	[smem:s5], [sflag:s4] =	dma.local [hbm:s2], $0x1  }
0x93: {  	_ =	swait.eq [sflag:s4], $0x1  }
0x94: {  	[sflag:s4] =	ssyncset.done $0x0  }
0x95: {  	[sflag:s4] =	ssyncadd.s32 $0xFFFFFFFF  }
0x96: {  	s16 =	sld [smem:$0x10];
	(tm) =	ssettm $0x1  }
0x97: {  	s17 =	sld [smem:$0x3FFB];
	_ =	sdelay $0x3  }
0x98: {  	_ =	strace s17  }
0x99: {  	s4 =	sld [smem:$0x3FFC];
	_ =	sdelay $0x3  }
0x9a: {  	_ =	strace s4  }
0x9b: {  	s4 =	sld [smem:$0x3FFD];
	_ =	sdelay $0x3  }
0x9c: {  	_ =	strace s4  }
0x9d: {  	_ =	strace $0x8FFFFFFF  }
0x9e: {  	s18 =	sld [smem:$0x3FDB];
	_ =	sdelay $0x1  }
0x9f: {  	s19 =	simm.s32 $_scs_section_size  }
0xa0: {  	s6 =	simm.s32 $_size__tile_overlayer_lowered;
	s7 =	simm.s32 $_tile_overlayer_lowered  }
0xa1: {  	s22 =	simm.s32 $0x1BFF;
	s21 =	sshll.u32 s7, $0x1;
	s4 =	sadd.s32 s19, s18  }
0xa2: {  	s8 =	simm.s32 $0x0;
	s20 =	sshll.u32 s6, $0x1;
	s6 =	sadd.s32 s21, s4  }
0xa3: {  	[timem:s8], [sflag:s22] =	dma.local [hbm:s6], s20  }
0xa4: {  	_ =	swait.ge [sflag:s22], s20  }
0xa5: {  	s5 =	ssub.s32 $0x0, s20;
	[sflag:s22] =	ssyncset.done $0x0  }
0xa6: {  	[sflag:s22] =	ssyncadd.s32 s5;
	_ =	sdelay $0x1  }
0xa7: {  	s23 =	simm.s32 $0x1B8B  }
0xa8: {  	_ =	swait.ge [sflag:s23], $0x1  }
0xa9: {  	[sflag:s23] =	ssyncset.done $0x0  }
0xaa: {  	s25 =	simm.s32 $0x1B8E;
	s24 =	sld [smem:$0x3FFE];
	[sflag:s23] =	ssyncadd.s32 $0xFFFFFFFF  }
0xab: {  	s26 =	simm.s32 $execute0_lowered;
	[smem:$0x3FD2] =	sst s25  }
0xac: {  	s6 =	sshll.u32 s26, $0x1;
	_ =	strace $0x80000046;
	[dreg:$0x1] =	wrdreg $0xFFFFFFFF  }
0xad: {  	s28 =	simm.s32 $_size_execute0_lowered;
	s4 =	sadd.s32 s4, s6;
	[dreg:$0x0] =	wrdreg $0x0  }
0xae: {  	s6 =	sshll.u32 s28, $0x1;
	[dreg:$0x2] =	wrdreg s4  }
0xaf: {  	[dreg:$0x3] =	wrdreg s6  }
0xb0: {  	[dreg:$0x4] =	wrdreg $0xC0  }
0xb1: {  	_ =	task [dreg:s8], $0x5FFFF  }
0xb2: {  	[dreg:$0x1] =	wrdreg $0xFFFFFFFF  }
0xb3: {  	[dreg:$0x0] =	wrdreg $0x60  }
0xb4: {  	[dreg:$0x2] =	wrdreg s15  }
0xb5: {  	[dreg:$0x3] =	wrdreg s16  }
0xb6: {  	[dreg:$0x4] =	wrdreg s24  }
0xb7: {  	[dreg:$0x5] =	wrdreg $0x9  }
0xb8: {  	_ =	task.clear_ibuf [dreg:s8], $0x6FFFF;
	_ =	strace $0x90000046  }
0xb9: {  	s29 =	simm.s32 $0x9;
	_ =	strace $0x80000048  }
0xba: {  	_ =	swait.ge [sflag:s29], $0x1  }
0xbb: {  	[sflag:s29] =	ssyncadd.s32 $0xFFFFFFFF  }
0xbc: {  	_ =	strace $0x90000048  }
0xbd: {  	_ =	sfence  }
0xbe: {  	s30 =	sld [smem:$0x0];
	_ =	sdelay $0x2  }
0xbf: {  	s31 =	sshll.u32 s1, $0xD;
	s1 =	sshrl.u32 s1, $0x2  }
0xc0: {  	s3 =	sand.u32 $0x4000, s31;
	s1 =	sadd.s32 s1, s30  }
0xc1: {  	s0 =	sor.u32 s3, s0;
	s1 =	sshll.u32 s1, $0x11  }
0xc2: {  	s0 =	sor.u32 s1, s0  }
0xc3: {  	s0 =	sadd.s32 $0x8F2B, s0  }
0xc4: {  	[sflag:s0] =	ssyncadd.remote.s32 $0x1  }
0xc5: {  	_ =	sfence.sel $0xFFFF  }
0xc6: {  	[dreg:$0x0] =	wrdreg $0xFFFFFFFF;
	(pc) =	sbr.abs _section_cstart, $3  }
0xc7: {  	[dreg:$0x1] =	wrdreg $0xFFFFFFFF  }
0xc8: {  	_ =	task.clear_ibuf [dreg:s8], $0x2FFFF;
	_ =	strace $0x9FFFFFFF  }
0xc9: {  	(tm) =	ssettm $0x7FFFFFFF  }
tec
execute0_lowered:
.L_overlay_start_1:
0x0: {  	(tag) =	ssettag $0x1  }
0x1: {  	s1 =	rddreg [dreg:$0x0]  }
0x2: {  	s0 =	rddreg [dreg:$0x1]  }
0x3: {  	s4 =	rddreg [dreg:$0x2];
	s3 =	simm.s32 $0x0;
	s5 =	srdreg.scid  }
0x4: {  	s2 =	stileid.u32;
	s13 =	simm.s32 $0x100;
	s14 =	simm.s32 $0x180  }
0x5: {  	s28 =	simm.s32 $0x6200;
	s29 =	simm.s32 $0x6A00;
	s30 =	simm.s32 $0x7200  }
0x6: {  	s31 =	simm.s32 $0x7A00;
	[smem:$0x7FF] =	sst s3;
	s5 =	sand.u32 $0x1, s5  }
0x7: {  	s7 =	sshll.u32 s2, $0x9;
	s9 =	sadd.s32 $0xE00, s4;
	s6 =	sshll.u32 s5, $0xD  }
0x8: {  	_ =	strace $0x80000047;
	s15 =	ssub.s32 $0x2, s5;
	s16 =	sor.u32 s7, s6  }
0x9: {  	s17 =	sshrl.u32 s15, $0x1;
	s7 =	sshrl.u32 s16, $0x3;
	s8 =	sor.u32 $0x80, s16  }
0xa: {  	s10 =	ssub.s32 s15, s17;
	s11 =	sor.u32 $0x100, s16;
	s12 =	sor.u32 $0x180, s16  }
0xb: {  	s23 =	sshll.u32 s16, $0x5;
	s15 =	simm.s32 $0x200;
	s16 =	simm.s32 $0xA00  }
0xc: {  	s17 =	simm.s32 $0x1200;
	s18 =	sadd.s32 s0, s7;
	s19 =	sshrl.u32 s8, $0x3  }
0xd: {  	s21 =	sshrl.u32 s11, $0x3;
	s22 =	sshrl.u32 s12, $0x3;
	s6 =	sadd.s32 s9, s23  }
0xe: {  	s24 =	sshll.u32 s8, $0x5;
	s25 =	sshll.u32 s11, $0x5;
	s26 =	sshll.u32 s12, $0x5  }
0xf: {  	s10 =	smax.u32 s10, $0x1;
	s11 =	simm.s32 $0x2;
	s12 =	simm.s32 $0x80  }
0x10: {  	s23 =	simm.s32 $0x4200;
	[dreg:$0x4] =	wrdreg s18;
	s20 =	sadd.s32 s0, s19  }
0x11: {  	s4 =	sadd.s32 s0, s21;
	s5 =	sadd.s32 s0, s22;
	s7 =	sadd.s32 s9, s24  }
0x12: {  	s8 =	sadd.s32 s9, s25;
	s9 =	sadd.s32 s9, s26;
	s18 =	simm.s32 $0x1A00  }
0x13: {  	v2 =	vlaneseq.u32;
	s19 =	simm.s32 $0x2200;
	s21 =	simm.s32 $0x3200;
	s22 =	simm.s32 $0x3A00  }
0x14: {  	vm0 =	vmmov $0xffff;
	v1 =	vshrl.u32 v2, $0x3;
	s24 =	simm.s32 $0x4A00;
	s25 =	simm.s32 $0x5200;
	s26 =	simm.s32 $0x5A00  }
0x15: {  	v0 =	vand.u32 $0x7, v2;
	v2 =	vor.u32 $0x8, v2;
	v1 =	vmul.u32 $0x8, v1;
	s0 =	simm.s32 $0x1;
	[dreg:$0x5] =	wrdreg s20;
	s20 =	simm.s32 $0x2A00  }
.LBB2_1:
0x16: {  	s2 =	rddreg [dreg:$0x4]  }
0x17: {  	[tilespmem:s3], [sflag:$0x2] =	stream.linear.gather [hbm4b:s2+s3], $0x80, $0x38;
	[tilespmem:$0x8200] =	vst v63  }
0x18: {  	_ =	swait.ge [sflag:s11], $0x80  }
0x19: {  	[sflag:s11] =	ssyncset.done $0x0  }
0x1a: {  	s2 =	rddreg [dreg:$0x5];
	[sflag:s11] =	ssyncadd.s32 $0xFFFFFF80  }
0x1b: {  	[tilespmem:s12], [sflag:$0x2] =	stream.linear.gather [hbm4b:s2+s3], $0x80, $0x38;
	[tilespmem:$0x8200] =	vst v63  }
0x1c: {  	_ =	swait.ge [sflag:s11], $0x80  }
0x1d: {  	[sflag:s11] =	ssyncset.done $0x0  }
0x1e: {  	[sflag:s11] =	ssyncadd.s32 $0xFFFFFF80  }
0x1f: {  	[tilespmem:s13], [sflag:$0x2] =	stream.linear.gather [hbm4b:s4+s3], $0x80, $0x38;
	[tilespmem:$0x8200] =	vst v63  }
0x20: {  	_ =	swait.ge [sflag:s11], $0x80  }
0x21: {  	[sflag:s11] =	ssyncset.done $0x0  }
0x22: {  	[sflag:s11] =	ssyncadd.s32 $0xFFFFFF80  }
0x23: {  	[tilespmem:s14], [sflag:$0x2] =	stream.linear.gather [hbm4b:s5+s3], $0x80, $0x38;
	[tilespmem:$0x8200] =	vst v63  }
0x24: {  	_ =	swait.ge [sflag:s11], $0x80  }
0x25: {  	[sflag:s11] =	ssyncset.done $0x0  }
0x26: {  	[sflag:s11] =	ssyncadd.s32 $0xFFFFFF80  }
0x27: {  	v3 =	vld [tilespmem:$0x0];
	_ =	sdelay $0x4  }
0x28: {  	v4 =	vshll.u32 v3, $0x1  }
0x29: {  	v3 =	vand.u32 $0x7, v3;
	v4 =	vand.u32 $0xFFFFFFF0, v4  }
0x2a: {  	v3 =	vor.u32 v3, v4  }
0x2b: {  	v4 =	vperm.xlane v3, v0;
	_ =	sdelay $0x1  }
0x2c: {  	v3 =	vperm.xlane v3, v2;
	v4 =	vadd.s32 v1, v4;
	_ =	sdelay $0x1  }
0x2d: {  	v3 =	vadd.s32 v1, v3;
	_ =	sdelay $0x2  }
0x2e: {  	[tilespmem:s15], [sflag:$0x1] =	stream.indirect_vreg.gather [hbm4b:s1+s3], $0x80, v4, vm0, $0xb8;
	[tilespmem:$0x8200] =	vst v63  }
0x2f: {  	_ = 	snop  }
0x30: {  	[tilespmem:s16], [sflag:$0x1] =	stream.indirect_vreg.gather [hbm4b:s1+s3], $0x80, v3, vm0, $0xb8;
	[tilespmem:$0x8200] =	vst v63  }
0x31: {  	v3 =	vld [tilespmem:$0x10];
	_ =	sdelay $0x4  }
0x32: {  	v33 =	vshll.u32 v3, $0x1  }
0x33: {  	v3 =	vand.u32 $0x7, v3;
	v4 =	vand.u32 $0xFFFFFFF0, v33  }
0x34: {  	v3 =	vor.u32 v3, v4  }
0x35: {  	v4 =	vperm.xlane v3, v0;
	_ =	sdelay $0x1  }
0x36: {  	v3 =	vperm.xlane v3, v2;
	v4 =	vadd.s32 v1, v4;
	_ =	sdelay $0x1  }
0x37: {  	v3 =	vadd.s32 v1, v3;
	_ =	sdelay $0x2  }
0x38: {  	[tilespmem:s17], [sflag:$0x1] =	stream.indirect_vreg.gather [hbm4b:s1+s3], $0x80, v4, vm0, $0xb8;
	[tilespmem:$0x8200] =	vst v63  }
0x39: {  	_ = 	snop  }
0x3a: {  	[tilespmem:s18], [sflag:$0x1] =	stream.indirect_vreg.gather [hbm4b:s1+s3], $0x80, v3, vm0, $0xb8;
	[tilespmem:$0x8200] =	vst v63  }
0x3b: {  	v3 =	vld [tilespmem:$0x20];
	_ =	sdelay $0x4  }
0x3c: {  	v34 =	vshll.u32 v3, $0x1  }
0x3d: {  	v3 =	vand.u32 $0x7, v3;
	v4 =	vand.u32 $0xFFFFFFF0, v34  }
0x3e: {  	v3 =	vor.u32 v3, v4  }
0x3f: {  	v4 =	vperm.xlane v3, v0;
	_ =	sdelay $0x1  }
0x40: {  	v3 =	vperm.xlane v3, v2;
	v4 =	vadd.s32 v1, v4;
	_ =	sdelay $0x1  }
0x41: {  	v3 =	vadd.s32 v1, v3;
	_ =	sdelay $0x2  }
0x42: {  	[tilespmem:s19], [sflag:$0x1] =	stream.indirect_vreg.gather [hbm4b:s1+s3], $0x80, v4, vm0, $0xb8;
	[tilespmem:$0x8200] =	vst v63  }
0x43: {  	_ = 	snop  }
0x44: {  	[tilespmem:s20], [sflag:$0x1] =	stream.indirect_vreg.gather [hbm4b:s1+s3], $0x80, v3, vm0, $0xb8;
	[tilespmem:$0x8200] =	vst v63  }
0x45: {  	v3 =	vld [tilespmem:$0x30];
	_ =	sdelay $0x4  }
0x46: {  	v35 =	vshll.u32 v3, $0x1  }
0x47: {  	v3 =	vand.u32 $0x7, v3;
	v4 =	vand.u32 $0xFFFFFFF0, v35  }
0x48: {  	v3 =	vor.u32 v3, v4  }
0x49: {  	v4 =	vperm.xlane v3, v0;
	_ =	sdelay $0x1  }
0x4a: {  	v3 =	vperm.xlane v3, v2;
	v4 =	vadd.s32 v1, v4;
	_ =	sdelay $0x1  }
0x4b: {  	v3 =	vadd.s32 v1, v3;
	_ =	sdelay $0x2  }
0x4c: {  	[tilespmem:s21], [sflag:$0x1] =	stream.indirect_vreg.gather [hbm4b:s1+s3], $0x80, v4, vm0, $0xb8;
	[tilespmem:$0x8200] =	vst v63  }
0x4d: {  	_ = 	snop  }
0x4e: {  	[tilespmem:s22], [sflag:$0x1] =	stream.indirect_vreg.gather [hbm4b:s1+s3], $0x80, v3, vm0, $0xb8;
	[tilespmem:$0x8200] =	vst v63  }
0x4f: {  	v3 =	vld [tilespmem:$0x40];
	_ =	sdelay $0x4  }
0x50: {  	v36 =	vshll.u32 v3, $0x1  }
0x51: {  	v3 =	vand.u32 $0x7, v3;
	v4 =	vand.u32 $0xFFFFFFF0, v36  }
0x52: {  	v3 =	vor.u32 v3, v4  }
0x53: {  	v4 =	vperm.xlane v3, v0;
	_ =	sdelay $0x1  }
0x54: {  	v3 =	vperm.xlane v3, v2;
	v4 =	vadd.s32 v1, v4;
	_ =	sdelay $0x1  }
0x55: {  	v3 =	vadd.s32 v1, v3;
	_ =	sdelay $0x2  }
0x56: {  	[tilespmem:s23], [sflag:$0x1] =	stream.indirect_vreg.gather [hbm4b:s1+s3], $0x80, v4, vm0, $0xb8;
	[tilespmem:$0x8200] =	vst v63  }
0x57: {  	_ = 	snop  }
0x58: {  	[tilespmem:s24], [sflag:$0x1] =	stream.indirect_vreg.gather [hbm4b:s1+s3], $0x80, v3, vm0, $0xb8;
	[tilespmem:$0x8200] =	vst v63  }
0x59: {  	v3 =	vld [tilespmem:$0x50];
	_ =	sdelay $0x4  }
0x5a: {  	v37 =	vshll.u32 v3, $0x1  }
0x5b: {  	v3 =	vand.u32 $0x7, v3;
	v4 =	vand.u32 $0xFFFFFFF0, v37  }
0x5c: {  	v3 =	vor.u32 v3, v4  }
0x5d: {  	v4 =	vperm.xlane v3, v0;
	_ =	sdelay $0x1  }
0x5e: {  	v3 =	vperm.xlane v3, v2;
	v4 =	vadd.s32 v1, v4;
	_ =	sdelay $0x1  }
0x5f: {  	v3 =	vadd.s32 v1, v3;
	_ =	sdelay $0x2  }
0x60: {  	[tilespmem:s25], [sflag:$0x1] =	stream.indirect_vreg.gather [hbm4b:s1+s3], $0x80, v4, vm0, $0xb8;
	[tilespmem:$0x8200] =	vst v63  }
0x61: {  	_ = 	snop  }
0x62: {  	[tilespmem:s26], [sflag:$0x1] =	stream.indirect_vreg.gather [hbm4b:s1+s3], $0x80, v3, vm0, $0xb8;
	[tilespmem:$0x8200] =	vst v63  }
0x63: {  	v3 =	vld [tilespmem:$0x60];
	_ =	sdelay $0x4  }
0x64: {  	v38 =	vshll.u32 v3, $0x1  }
0x65: {  	v3 =	vand.u32 $0x7, v3;
	v4 =	vand.u32 $0xFFFFFFF0, v38  }
0x66: {  	v3 =	vor.u32 v3, v4  }
0x67: {  	v4 =	vperm.xlane v3, v0;
	_ =	sdelay $0x1  }
0x68: {  	v3 =	vperm.xlane v3, v2;
	v4 =	vadd.s32 v1, v4;
	_ =	sdelay $0x1  }
0x69: {  	v3 =	vadd.s32 v1, v3;
	_ =	sdelay $0x2  }
0x6a: {  	[tilespmem:s28], [sflag:$0x1] =	stream.indirect_vreg.gather [hbm4b:s1+s3], $0x80, v4, vm0, $0xb8;
	[tilespmem:$0x8200] =	vst v63  }
0x6b: {  	_ = 	snop  }
0x6c: {  	[tilespmem:s29], [sflag:$0x1] =	stream.indirect_vreg.gather [hbm4b:s1+s3], $0x80, v3, vm0, $0xb8;
	[tilespmem:$0x8200] =	vst v63  }
0x6d: {  	v3 =	vld [tilespmem:$0x70];
	_ =	sdelay $0x4  }
0x6e: {  	v39 =	vshll.u32 v3, $0x1  }
0x6f: {  	v3 =	vand.u32 $0x7, v3;
	v4 =	vand.u32 $0xFFFFFFF0, v39  }
0x70: {  	v3 =	vor.u32 v3, v4  }
0x71: {  	v4 =	vperm.xlane v3, v0;
	_ =	sdelay $0x1  }
0x72: {  	v3 =	vperm.xlane v3, v2;
	v4 =	vadd.s32 v1, v4;
	_ =	sdelay $0x1  }
0x73: {  	v3 =	vadd.s32 v1, v3;
	_ =	sdelay $0x2  }
0x74: {  	[tilespmem:s30], [sflag:$0x1] =	stream.indirect_vreg.gather [hbm4b:s1+s3], $0x80, v4, vm0, $0xb8;
	[tilespmem:$0x8200] =	vst v63  }
0x75: {  	_ = 	snop  }
0x76: {  	[tilespmem:s31], [sflag:$0x1] =	stream.indirect_vreg.gather [hbm4b:s1+s3], $0x80, v3, vm0, $0xb8;
	[tilespmem:$0x8200] =	vst v63  }
0x77: {  	_ =	swait.ge [sflag:s0], $0x8000  }
0x78: {  	[sflag:s0] =	ssyncset.done $0x0  }
0x79: {  	[sflag:s0] =	ssyncadd.s32 $0xFFFF8000  }
0x7a: {  	[hbm4b:s6+s3] =	stream.linear.scatter [tilespmem:s15], [sflag:$0x2], $0x8000, $0x38;
	[tilespmem:$0x8200] =	vst v63  }
0x7b: {  	_ =	swait.ge [sflag:s11], $0x8000  }
0x7c: {  	[sflag:s11] =	ssyncset.done $0x0  }
0x7d: {  	[sflag:s11] =	ssyncadd.s32 $0xFFFF8000  }
0x7e: {  	v3 =	vld [tilespmem:$0x80];
	_ =	sdelay $0x4  }
0x7f: {  	v40 =	vshll.u32 v3, $0x1  }
0x80: {  	v3 =	vand.u32 $0x7, v3;
	v4 =	vand.u32 $0xFFFFFFF0, v40  }
0x81: {  	v3 =	vor.u32 v3, v4  }
0x82: {  	v4 =	vperm.xlane v3, v0;
	_ =	sdelay $0x1  }
0x83: {  	v3 =	vperm.xlane v3, v2;
	v4 =	vadd.s32 v1, v4;
	_ =	sdelay $0x1  }
0x84: {  	v3 =	vadd.s32 v1, v3;
	_ =	sdelay $0x2  }
0x85: {  	[tilespmem:s15], [sflag:$0x1] =	stream.indirect_vreg.gather [hbm4b:s1+s3], $0x80, v4, vm0, $0xb8;
	[tilespmem:$0x8200] =	vst v63  }
0x86: {  	_ = 	snop  }
0x87: {  	[tilespmem:s16], [sflag:$0x1] =	stream.indirect_vreg.gather [hbm4b:s1+s3], $0x80, v3, vm0, $0xb8;
	[tilespmem:$0x8200] =	vst v63  }
0x88: {  	v3 =	vld [tilespmem:$0x90];
	_ =	sdelay $0x4  }
0x89: {  	v41 =	vshll.u32 v3, $0x1  }
0x8a: {  	v3 =	vand.u32 $0x7, v3;
	v4 =	vand.u32 $0xFFFFFFF0, v41  }
0x8b: {  	v3 =	vor.u32 v3, v4  }
0x8c: {  	v4 =	vperm.xlane v3, v0;
	_ =	sdelay $0x1  }
0x8d: {  	v3 =	vperm.xlane v3, v2;
	v4 =	vadd.s32 v1, v4;
	_ =	sdelay $0x1  }
0x8e: {  	v3 =	vadd.s32 v1, v3;
	_ =	sdelay $0x2  }
0x8f: {  	[tilespmem:s17], [sflag:$0x1] =	stream.indirect_vreg.gather [hbm4b:s1+s3], $0x80, v4, vm0, $0xb8;
	[tilespmem:$0x8200] =	vst v63  }
0x90: {  	_ = 	snop  }
0x91: {  	[tilespmem:s18], [sflag:$0x1] =	stream.indirect_vreg.gather [hbm4b:s1+s3], $0x80, v3, vm0, $0xb8;
	[tilespmem:$0x8200] =	vst v63  }
0x92: {  	v3 =	vld [tilespmem:$0xA0];
	_ =	sdelay $0x4  }
0x93: {  	v42 =	vshll.u32 v3, $0x1  }
0x94: {  	v3 =	vand.u32 $0x7, v3;
	v4 =	vand.u32 $0xFFFFFFF0, v42  }
0x95: {  	v3 =	vor.u32 v3, v4  }
0x96: {  	v4 =	vperm.xlane v3, v0;
	_ =	sdelay $0x1  }
0x97: {  	v3 =	vperm.xlane v3, v2;
	v4 =	vadd.s32 v1, v4;
	_ =	sdelay $0x1  }
0x98: {  	v3 =	vadd.s32 v1, v3;
	_ =	sdelay $0x2  }
0x99: {  	[tilespmem:s19], [sflag:$0x1] =	stream.indirect_vreg.gather [hbm4b:s1+s3], $0x80, v4, vm0, $0xb8;
	[tilespmem:$0x8200] =	vst v63  }
0x9a: {  	_ = 	snop  }
0x9b: {  	[tilespmem:s20], [sflag:$0x1] =	stream.indirect_vreg.gather [hbm4b:s1+s3], $0x80, v3, vm0, $0xb8;
	[tilespmem:$0x8200] =	vst v63  }
0x9c: {  	v3 =	vld [tilespmem:$0xB0];
	_ =	sdelay $0x4  }
0x9d: {  	v43 =	vshll.u32 v3, $0x1  }
0x9e: {  	v3 =	vand.u32 $0x7, v3;
	v4 =	vand.u32 $0xFFFFFFF0, v43  }
0x9f: {  	v3 =	vor.u32 v3, v4  }
0xa0: {  	v4 =	vperm.xlane v3, v0;
	_ =	sdelay $0x1  }
0xa1: {  	v3 =	vperm.xlane v3, v2;
	v4 =	vadd.s32 v1, v4;
	_ =	sdelay $0x1  }
0xa2: {  	v3 =	vadd.s32 v1, v3;
	_ =	sdelay $0x2  }
0xa3: {  	[tilespmem:s21], [sflag:$0x1] =	stream.indirect_vreg.gather [hbm4b:s1+s3], $0x80, v4, vm0, $0xb8;
	[tilespmem:$0x8200] =	vst v63  }
0xa4: {  	_ = 	snop  }
0xa5: {  	[tilespmem:s22], [sflag:$0x1] =	stream.indirect_vreg.gather [hbm4b:s1+s3], $0x80, v3, vm0, $0xb8;
	[tilespmem:$0x8200] =	vst v63  }
0xa6: {  	v3 =	vld [tilespmem:$0xC0];
	_ =	sdelay $0x4  }
0xa7: {  	v44 =	vshll.u32 v3, $0x1  }
0xa8: {  	v3 =	vand.u32 $0x7, v3;
	v4 =	vand.u32 $0xFFFFFFF0, v44  }
0xa9: {  	v3 =	vor.u32 v3, v4  }
0xaa: {  	v4 =	vperm.xlane v3, v0;
	_ =	sdelay $0x1  }
0xab: {  	v3 =	vperm.xlane v3, v2;
	v4 =	vadd.s32 v1, v4;
	_ =	sdelay $0x1  }
0xac: {  	v3 =	vadd.s32 v1, v3;
	_ =	sdelay $0x2  }
0xad: {  	[tilespmem:s23], [sflag:$0x1] =	stream.indirect_vreg.gather [hbm4b:s1+s3], $0x80, v4, vm0, $0xb8;
	[tilespmem:$0x8200] =	vst v63  }
0xae: {  	_ = 	snop  }
0xaf: {  	[tilespmem:s24], [sflag:$0x1] =	stream.indirect_vreg.gather [hbm4b:s1+s3], $0x80, v3, vm0, $0xb8;
	[tilespmem:$0x8200] =	vst v63  }
0xb0: {  	v3 =	vld [tilespmem:$0xD0];
	_ =	sdelay $0x4  }
0xb1: {  	v45 =	vshll.u32 v3, $0x1  }
0xb2: {  	v3 =	vand.u32 $0x7, v3;
	v4 =	vand.u32 $0xFFFFFFF0, v45  }
0xb3: {  	v3 =	vor.u32 v3, v4  }
0xb4: {  	v4 =	vperm.xlane v3, v0;
	_ =	sdelay $0x1  }
0xb5: {  	v3 =	vperm.xlane v3, v2;
	v4 =	vadd.s32 v1, v4;
	_ =	sdelay $0x1  }
0xb6: {  	v3 =	vadd.s32 v1, v3;
	_ =	sdelay $0x2  }
0xb7: {  	[tilespmem:s25], [sflag:$0x1] =	stream.indirect_vreg.gather [hbm4b:s1+s3], $0x80, v4, vm0, $0xb8;
	[tilespmem:$0x8200] =	vst v63  }
0xb8: {  	_ = 	snop  }
0xb9: {  	[tilespmem:s26], [sflag:$0x1] =	stream.indirect_vreg.gather [hbm4b:s1+s3], $0x80, v3, vm0, $0xb8;
	[tilespmem:$0x8200] =	vst v63  }
0xba: {  	v3 =	vld [tilespmem:$0xE0];
	_ =	sdelay $0x4  }
0xbb: {  	v46 =	vshll.u32 v3, $0x1  }
0xbc: {  	v3 =	vand.u32 $0x7, v3;
	v4 =	vand.u32 $0xFFFFFFF0, v46  }
0xbd: {  	v3 =	vor.u32 v3, v4  }
0xbe: {  	v4 =	vperm.xlane v3, v0;
	_ =	sdelay $0x1  }
0xbf: {  	v3 =	vperm.xlane v3, v2;
	v4 =	vadd.s32 v1, v4;
	_ =	sdelay $0x1  }
0xc0: {  	v3 =	vadd.s32 v1, v3;
	_ =	sdelay $0x2  }
0xc1: {  	[tilespmem:s28], [sflag:$0x1] =	stream.indirect_vreg.gather [hbm4b:s1+s3], $0x80, v4, vm0, $0xb8;
	[tilespmem:$0x8200] =	vst v63  }
0xc2: {  	_ = 	snop  }
0xc3: {  	[tilespmem:s29], [sflag:$0x1] =	stream.indirect_vreg.gather [hbm4b:s1+s3], $0x80, v3, vm0, $0xb8;
	[tilespmem:$0x8200] =	vst v63  }
0xc4: {  	v3 =	vld [tilespmem:$0xF0];
	_ =	sdelay $0x4  }
0xc5: {  	v47 =	vshll.u32 v3, $0x1  }
0xc6: {  	v3 =	vand.u32 $0x7, v3;
	v4 =	vand.u32 $0xFFFFFFF0, v47  }
0xc7: {  	v3 =	vor.u32 v3, v4  }
0xc8: {  	v4 =	vperm.xlane v3, v0;
	_ =	sdelay $0x1  }
0xc9: {  	v3 =	vperm.xlane v3, v2;
	v4 =	vadd.s32 v1, v4;
	_ =	sdelay $0x1  }
0xca: {  	v3 =	vadd.s32 v1, v3;
	_ =	sdelay $0x2  }
0xcb: {  	[tilespmem:s30], [sflag:$0x1] =	stream.indirect_vreg.gather [hbm4b:s1+s3], $0x80, v4, vm0, $0xb8;
	[tilespmem:$0x8200] =	vst v63  }
0xcc: {  	_ = 	snop  }
0xcd: {  	[tilespmem:s31], [sflag:$0x1] =	stream.indirect_vreg.gather [hbm4b:s1+s3], $0x80, v3, vm0, $0xb8;
	[tilespmem:$0x8200] =	vst v63  }
0xce: {  	_ =	swait.ge [sflag:s0], $0x8000  }
0xcf: {  	[sflag:s0] =	ssyncset.done $0x0  }
0xd0: {  	[sflag:s0] =	ssyncadd.s32 $0xFFFF8000  }
0xd1: {  	[hbm4b:s7+s3] =	stream.linear.scatter [tilespmem:s15], [sflag:$0x2], $0x8000, $0x38;
	[tilespmem:$0x8200] =	vst v63  }
0xd2: {  	_ =	swait.ge [sflag:s11], $0x8000  }
0xd3: {  	[sflag:s11] =	ssyncset.done $0x0  }
0xd4: {  	[sflag:s11] =	ssyncadd.s32 $0xFFFF8000  }
0xd5: {  	v3 =	vld [tilespmem:$0x100];
	_ =	sdelay $0x4  }
0xd6: {  	v48 =	vshll.u32 v3, $0x1  }
0xd7: {  	v3 =	vand.u32 $0x7, v3;
	v4 =	vand.u32 $0xFFFFFFF0, v48  }
0xd8: {  	v3 =	vor.u32 v3, v4  }
0xd9: {  	v4 =	vperm.xlane v3, v0;
	_ =	sdelay $0x1  }
0xda: {  	v3 =	vperm.xlane v3, v2;
	v4 =	vadd.s32 v1, v4;
	_ =	sdelay $0x1  }
0xdb: {  	v3 =	vadd.s32 v1, v3;
	_ =	sdelay $0x2  }
0xdc: {  	[tilespmem:s15], [sflag:$0x1] =	stream.indirect_vreg.gather [hbm4b:s1+s3], $0x80, v4, vm0, $0xb8;
	[tilespmem:$0x8200] =	vst v63  }
0xdd: {  	_ = 	snop  }
0xde: {  	[tilespmem:s16], [sflag:$0x1] =	stream.indirect_vreg.gather [hbm4b:s1+s3], $0x80, v3, vm0, $0xb8;
	[tilespmem:$0x8200] =	vst v63  }
0xdf: {  	v3 =	vld [tilespmem:$0x110];
	_ =	sdelay $0x4  }
0xe0: {  	v49 =	vshll.u32 v3, $0x1  }
0xe1: {  	v3 =	vand.u32 $0x7, v3;
	v4 =	vand.u32 $0xFFFFFFF0, v49  }
0xe2: {  	v3 =	vor.u32 v3, v4  }
0xe3: {  	v4 =	vperm.xlane v3, v0;
	_ =	sdelay $0x1  }
0xe4: {  	v3 =	vperm.xlane v3, v2;
	v4 =	vadd.s32 v1, v4;
	_ =	sdelay $0x1  }
0xe5: {  	v3 =	vadd.s32 v1, v3;
	_ =	sdelay $0x2  }
0xe6: {  	[tilespmem:s17], [sflag:$0x1] =	stream.indirect_vreg.gather [hbm4b:s1+s3], $0x80, v4, vm0, $0xb8;
	[tilespmem:$0x8200] =	vst v63  }
0xe7: {  	_ = 	snop  }
0xe8: {  	[tilespmem:s18], [sflag:$0x1] =	stream.indirect_vreg.gather [hbm4b:s1+s3], $0x80, v3, vm0, $0xb8;
	[tilespmem:$0x8200] =	vst v63  }
0xe9: {  	v3 =	vld [tilespmem:$0x120];
	_ =	sdelay $0x4  }
0xea: {  	v50 =	vshll.u32 v3, $0x1  }
0xeb: {  	v3 =	vand.u32 $0x7, v3;
	v4 =	vand.u32 $0xFFFFFFF0, v50  }
0xec: {  	v3 =	vor.u32 v3, v4  }
0xed: {  	v4 =	vperm.xlane v3, v0;
	_ =	sdelay $0x1  }
0xee: {  	v3 =	vperm.xlane v3, v2;
	v4 =	vadd.s32 v1, v4;
	_ =	sdelay $0x1  }
0xef: {  	v3 =	vadd.s32 v1, v3;
	_ =	sdelay $0x2  }
0xf0: {  	[tilespmem:s19], [sflag:$0x1] =	stream.indirect_vreg.gather [hbm4b:s1+s3], $0x80, v4, vm0, $0xb8;
	[tilespmem:$0x8200] =	vst v63  }
0xf1: {  	_ = 	snop  }
0xf2: {  	[tilespmem:s20], [sflag:$0x1] =	stream.indirect_vreg.gather [hbm4b:s1+s3], $0x80, v3, vm0, $0xb8;
	[tilespmem:$0x8200] =	vst v63  }
0xf3: {  	v3 =	vld [tilespmem:$0x130];
	_ =	sdelay $0x4  }
0xf4: {  	v51 =	vshll.u32 v3, $0x1  }
0xf5: {  	v3 =	vand.u32 $0x7, v3;
	v4 =	vand.u32 $0xFFFFFFF0, v51  }
0xf6: {  	v3 =	vor.u32 v3, v4  }
0xf7: {  	v4 =	vperm.xlane v3, v0;
	_ =	sdelay $0x1  }
0xf8: {  	v3 =	vperm.xlane v3, v2;
	v4 =	vadd.s32 v1, v4;
	_ =	sdelay $0x1  }
0xf9: {  	v3 =	vadd.s32 v1, v3;
	_ =	sdelay $0x2  }
0xfa: {  	[tilespmem:s21], [sflag:$0x1] =	stream.indirect_vreg.gather [hbm4b:s1+s3], $0x80, v4, vm0, $0xb8;
	[tilespmem:$0x8200] =	vst v63  }
0xfb: {  	_ = 	snop  }
0xfc: {  	[tilespmem:s22], [sflag:$0x1] =	stream.indirect_vreg.gather [hbm4b:s1+s3], $0x80, v3, vm0, $0xb8;
	[tilespmem:$0x8200] =	vst v63  }
0xfd: {  	v3 =	vld [tilespmem:$0x140];
	_ =	sdelay $0x4  }
0xfe: {  	v52 =	vshll.u32 v3, $0x1  }
0xff: {  	v3 =	vand.u32 $0x7, v3;
	v4 =	vand.u32 $0xFFFFFFF0, v52  }
0x100: {  	v3 =	vor.u32 v3, v4  }
0x101: {  	v4 =	vperm.xlane v3, v0;
	_ =	sdelay $0x1  }
0x102: {  	v3 =	vperm.xlane v3, v2;
	v4 =	vadd.s32 v1, v4;
	_ =	sdelay $0x1  }
0x103: {  	v3 =	vadd.s32 v1, v3;
	_ =	sdelay $0x2  }
0x104: {  	[tilespmem:s23], [sflag:$0x1] =	stream.indirect_vreg.gather [hbm4b:s1+s3], $0x80, v4, vm0, $0xb8;
	[tilespmem:$0x8200] =	vst v63  }
0x105: {  	_ = 	snop  }
0x106: {  	[tilespmem:s24], [sflag:$0x1] =	stream.indirect_vreg.gather [hbm4b:s1+s3], $0x80, v3, vm0, $0xb8;
	[tilespmem:$0x8200] =	vst v63  }
0x107: {  	v3 =	vld [tilespmem:$0x150];
	_ =	sdelay $0x4  }
0x108: {  	v53 =	vshll.u32 v3, $0x1  }
0x109: {  	v3 =	vand.u32 $0x7, v3;
	v4 =	vand.u32 $0xFFFFFFF0, v53  }
0x10a: {  	v3 =	vor.u32 v3, v4  }
0x10b: {  	v4 =	vperm.xlane v3, v0;
	_ =	sdelay $0x1  }
0x10c: {  	v3 =	vperm.xlane v3, v2;
	v4 =	vadd.s32 v1, v4;
	_ =	sdelay $0x1  }
0x10d: {  	v3 =	vadd.s32 v1, v3;
	_ =	sdelay $0x2  }
0x10e: {  	[tilespmem:s25], [sflag:$0x1] =	stream.indirect_vreg.gather [hbm4b:s1+s3], $0x80, v4, vm0, $0xb8;
	[tilespmem:$0x8200] =	vst v63  }
0x10f: {  	_ = 	snop  }
0x110: {  	[tilespmem:s26], [sflag:$0x1] =	stream.indirect_vreg.gather [hbm4b:s1+s3], $0x80, v3, vm0, $0xb8;
	[tilespmem:$0x8200] =	vst v63  }
0x111: {  	v3 =	vld [tilespmem:$0x160];
	_ =	sdelay $0x4  }
0x112: {  	v54 =	vshll.u32 v3, $0x1  }
0x113: {  	v3 =	vand.u32 $0x7, v3;
	v4 =	vand.u32 $0xFFFFFFF0, v54  }
0x114: {  	v3 =	vor.u32 v3, v4  }
0x115: {  	v4 =	vperm.xlane v3, v0;
	_ =	sdelay $0x1  }
0x116: {  	v3 =	vperm.xlane v3, v2;
	v4 =	vadd.s32 v1, v4;
	_ =	sdelay $0x1  }
0x117: {  	v3 =	vadd.s32 v1, v3;
	_ =	sdelay $0x2  }
0x118: {  	[tilespmem:s28], [sflag:$0x1] =	stream.indirect_vreg.gather [hbm4b:s1+s3], $0x80, v4, vm0, $0xb8;
	[tilespmem:$0x8200] =	vst v63  }
0x119: {  	_ = 	snop  }
0x11a: {  	[tilespmem:s29], [sflag:$0x1] =	stream.indirect_vreg.gather [hbm4b:s1+s3], $0x80, v3, vm0, $0xb8;
	[tilespmem:$0x8200] =	vst v63  }
0x11b: {  	v3 =	vld [tilespmem:$0x170];
	_ =	sdelay $0x4  }
0x11c: {  	v55 =	vshll.u32 v3, $0x1  }
0x11d: {  	v3 =	vand.u32 $0x7, v3;
	v4 =	vand.u32 $0xFFFFFFF0, v55  }
0x11e: {  	v3 =	vor.u32 v3, v4  }
0x11f: {  	v4 =	vperm.xlane v3, v0;
	_ =	sdelay $0x1  }
0x120: {  	v3 =	vperm.xlane v3, v2;
	v4 =	vadd.s32 v1, v4;
	_ =	sdelay $0x1  }
0x121: {  	v3 =	vadd.s32 v1, v3;
	_ =	sdelay $0x2  }
0x122: {  	[tilespmem:s30], [sflag:$0x1] =	stream.indirect_vreg.gather [hbm4b:s1+s3], $0x80, v4, vm0, $0xb8;
	[tilespmem:$0x8200] =	vst v63  }
0x123: {  	_ = 	snop  }
0x124: {  	[tilespmem:s31], [sflag:$0x1] =	stream.indirect_vreg.gather [hbm4b:s1+s3], $0x80, v3, vm0, $0xb8;
	[tilespmem:$0x8200] =	vst v63  }
0x125: {  	_ =	swait.ge [sflag:s0], $0x8000  }
0x126: {  	[sflag:s0] =	ssyncset.done $0x0  }
0x127: {  	[sflag:s0] =	ssyncadd.s32 $0xFFFF8000  }
0x128: {  	[hbm4b:s8+s3] =	stream.linear.scatter [tilespmem:s15], [sflag:$0x2], $0x8000, $0x38;
	[tilespmem:$0x8200] =	vst v63  }
0x129: {  	_ =	swait.ge [sflag:s11], $0x8000  }
0x12a: {  	[sflag:s11] =	ssyncset.done $0x0  }
0x12b: {  	[sflag:s11] =	ssyncadd.s32 $0xFFFF8000  }
0x12c: {  	v3 =	vld [tilespmem:$0x180];
	_ =	sdelay $0x4  }
0x12d: {  	v56 =	vshll.u32 v3, $0x1  }
0x12e: {  	v3 =	vand.u32 $0x7, v3;
	v4 =	vand.u32 $0xFFFFFFF0, v56  }
0x12f: {  	v3 =	vor.u32 v3, v4  }
0x130: {  	v4 =	vperm.xlane v3, v0;
	_ =	sdelay $0x1  }
0x131: {  	v3 =	vperm.xlane v3, v2;
	v4 =	vadd.s32 v1, v4;
	_ =	sdelay $0x1  }
0x132: {  	v3 =	vadd.s32 v1, v3;
	_ =	sdelay $0x2  }
0x133: {  	[tilespmem:s15], [sflag:$0x1] =	stream.indirect_vreg.gather [hbm4b:s1+s3], $0x80, v4, vm0, $0xb8;
	[tilespmem:$0x8200] =	vst v63  }
0x134: {  	_ = 	snop  }
0x135: {  	[tilespmem:s16], [sflag:$0x1] =	stream.indirect_vreg.gather [hbm4b:s1+s3], $0x80, v3, vm0, $0xb8;
	[tilespmem:$0x8200] =	vst v63  }
0x136: {  	v3 =	vld [tilespmem:$0x190];
	_ =	sdelay $0x4  }
0x137: {  	v57 =	vshll.u32 v3, $0x1  }
0x138: {  	v3 =	vand.u32 $0x7, v3;
	v4 =	vand.u32 $0xFFFFFFF0, v57  }
0x139: {  	v3 =	vor.u32 v3, v4  }
0x13a: {  	v4 =	vperm.xlane v3, v0;
	_ =	sdelay $0x1  }
0x13b: {  	v3 =	vperm.xlane v3, v2;
	v4 =	vadd.s32 v1, v4;
	_ =	sdelay $0x1  }
0x13c: {  	v3 =	vadd.s32 v1, v3;
	_ =	sdelay $0x2  }
0x13d: {  	[tilespmem:s17], [sflag:$0x1] =	stream.indirect_vreg.gather [hbm4b:s1+s3], $0x80, v4, vm0, $0xb8;
	[tilespmem:$0x8200] =	vst v63  }
0x13e: {  	_ = 	snop  }
0x13f: {  	[tilespmem:s18], [sflag:$0x1] =	stream.indirect_vreg.gather [hbm4b:s1+s3], $0x80, v3, vm0, $0xb8;
	[tilespmem:$0x8200] =	vst v63  }
0x140: {  	v3 =	vld [tilespmem:$0x1A0];
	_ =	sdelay $0x4  }
0x141: {  	v58 =	vshll.u32 v3, $0x1  }
0x142: {  	v3 =	vand.u32 $0x7, v3;
	v4 =	vand.u32 $0xFFFFFFF0, v58  }
0x143: {  	v3 =	vor.u32 v3, v4  }
0x144: {  	v4 =	vperm.xlane v3, v0;
	_ =	sdelay $0x1  }
0x145: {  	v3 =	vperm.xlane v3, v2;
	v4 =	vadd.s32 v1, v4;
	_ =	sdelay $0x1  }
0x146: {  	v3 =	vadd.s32 v1, v3;
	_ =	sdelay $0x2  }
0x147: {  	[tilespmem:s19], [sflag:$0x1] =	stream.indirect_vreg.gather [hbm4b:s1+s3], $0x80, v4, vm0, $0xb8;
	[tilespmem:$0x8200] =	vst v63  }
0x148: {  	_ = 	snop  }
0x149: {  	[tilespmem:s20], [sflag:$0x1] =	stream.indirect_vreg.gather [hbm4b:s1+s3], $0x80, v3, vm0, $0xb8;
	[tilespmem:$0x8200] =	vst v63  }
0x14a: {  	v3 =	vld [tilespmem:$0x1B0];
	_ =	sdelay $0x4  }
0x14b: {  	v59 =	vshll.u32 v3, $0x1  }
0x14c: {  	v3 =	vand.u32 $0x7, v3;
	v4 =	vand.u32 $0xFFFFFFF0, v59  }
0x14d: {  	v3 =	vor.u32 v3, v4  }
0x14e: {  	v4 =	vperm.xlane v3, v0;
	_ =	sdelay $0x1  }
0x14f: {  	v3 =	vperm.xlane v3, v2;
	v4 =	vadd.s32 v1, v4;
	_ =	sdelay $0x1  }
0x150: {  	v3 =	vadd.s32 v1, v3;
	_ =	sdelay $0x2  }
0x151: {  	[tilespmem:s21], [sflag:$0x1] =	stream.indirect_vreg.gather [hbm4b:s1+s3], $0x80, v4, vm0, $0xb8;
	[tilespmem:$0x8200] =	vst v63  }
0x152: {  	_ = 	snop  }
0x153: {  	[tilespmem:s22], [sflag:$0x1] =	stream.indirect_vreg.gather [hbm4b:s1+s3], $0x80, v3, vm0, $0xb8;
	[tilespmem:$0x8200] =	vst v63  }
0x154: {  	v3 =	vld [tilespmem:$0x1C0];
	_ =	sdelay $0x4  }
0x155: {  	v60 =	vshll.u32 v3, $0x1  }
0x156: {  	v3 =	vand.u32 $0x7, v3;
	v4 =	vand.u32 $0xFFFFFFF0, v60  }
0x157: {  	v3 =	vor.u32 v3, v4  }
0x158: {  	v4 =	vperm.xlane v3, v0;
	_ =	sdelay $0x1  }
0x159: {  	v3 =	vperm.xlane v3, v2;
	v4 =	vadd.s32 v1, v4;
	_ =	sdelay $0x1  }
0x15a: {  	v3 =	vadd.s32 v1, v3;
	_ =	sdelay $0x2  }
0x15b: {  	[tilespmem:s23], [sflag:$0x1] =	stream.indirect_vreg.gather [hbm4b:s1+s3], $0x80, v4, vm0, $0xb8;
	[tilespmem:$0x8200] =	vst v63  }
0x15c: {  	_ = 	snop  }
0x15d: {  	[tilespmem:s24], [sflag:$0x1] =	stream.indirect_vreg.gather [hbm4b:s1+s3], $0x80, v3, vm0, $0xb8;
	[tilespmem:$0x8200] =	vst v63  }
0x15e: {  	v3 =	vld [tilespmem:$0x1D0];
	_ =	sdelay $0x4  }
0x15f: {  	v61 =	vshll.u32 v3, $0x1  }
0x160: {  	v3 =	vand.u32 $0x7, v3;
	v4 =	vand.u32 $0xFFFFFFF0, v61  }
0x161: {  	v3 =	vor.u32 v3, v4  }
0x162: {  	v4 =	vperm.xlane v3, v0;
	_ =	sdelay $0x1  }
0x163: {  	v3 =	vperm.xlane v3, v2;
	v4 =	vadd.s32 v1, v4;
	_ =	sdelay $0x1  }
0x164: {  	v3 =	vadd.s32 v1, v3;
	_ =	sdelay $0x2  }
0x165: {  	[tilespmem:s25], [sflag:$0x1] =	stream.indirect_vreg.gather [hbm4b:s1+s3], $0x80, v4, vm0, $0xb8;
	[tilespmem:$0x8200] =	vst v63  }
0x166: {  	_ = 	snop  }
0x167: {  	[tilespmem:s26], [sflag:$0x1] =	stream.indirect_vreg.gather [hbm4b:s1+s3], $0x80, v3, vm0, $0xb8;
	[tilespmem:$0x8200] =	vst v63  }
0x168: {  	v3 =	vld [tilespmem:$0x1E0];
	_ =	sdelay $0x4  }
0x169: {  	v62 =	vshll.u32 v3, $0x1  }
0x16a: {  	v3 =	vand.u32 $0x7, v3;
	v4 =	vand.u32 $0xFFFFFFF0, v62  }
0x16b: {  	v3 =	vor.u32 v3, v4  }
0x16c: {  	v4 =	vperm.xlane v3, v0;
	_ =	sdelay $0x1  }
0x16d: {  	v3 =	vperm.xlane v3, v2;
	v4 =	vadd.s32 v1, v4;
	_ =	sdelay $0x1  }
0x16e: {  	v3 =	vadd.s32 v1, v3;
	_ =	sdelay $0x2  }
0x16f: {  	[tilespmem:s28], [sflag:$0x1] =	stream.indirect_vreg.gather [hbm4b:s1+s3], $0x80, v4, vm0, $0xb8;
	[tilespmem:$0x8200] =	vst v63  }
0x170: {  	_ = 	snop  }
0x171: {  	[tilespmem:s29], [sflag:$0x1] =	stream.indirect_vreg.gather [hbm4b:s1+s3], $0x80, v3, vm0, $0xb8;
	[tilespmem:$0x8200] =	vst v63  }
0x172: {  	v3 =	vld [tilespmem:$0x1F0];
	_ =	sdelay $0x4  }
0x173: {  	v63 =	vshll.u32 v3, $0x1  }
0x174: {  	v3 =	vand.u32 $0x7, v3;
	v4 =	vand.u32 $0xFFFFFFF0, v63  }
0x175: {  	v3 =	vor.u32 v3, v4  }
0x176: {  	v4 =	vperm.xlane v3, v0;
	_ =	sdelay $0x1  }
0x177: {  	v3 =	vperm.xlane v3, v2;
	v4 =	vadd.s32 v1, v4;
	_ =	sdelay $0x1  }
0x178: {  	v3 =	vadd.s32 v1, v3;
	_ =	sdelay $0x2  }
0x179: {  	[tilespmem:s30], [sflag:$0x1] =	stream.indirect_vreg.gather [hbm4b:s1+s3], $0x80, v4, vm0, $0xb8;
	[tilespmem:$0x8200] =	vst v63  }
0x17a: {  	_ = 	snop  }
0x17b: {  	[tilespmem:s31], [sflag:$0x1] =	stream.indirect_vreg.gather [hbm4b:s1+s3], $0x80, v3, vm0, $0xb8;
	[tilespmem:$0x8200] =	vst v63  }
0x17c: {  	_ =	swait.ge [sflag:s0], $0x8000  }
0x17d: {  	p0 =	sne.s32 s10, $0x1;
	[sflag:s0] =	ssyncset.done $0x0  }
.Ltmp0:
0x17e: {  	[sflag:s0] =	ssyncadd.s32 $0xFFFF8000;
	(pc) =	sbr.rel @p0 .LBB2_1-.Ltmp0, $4  }
0x17f: {  	[hbm4b:s9+s3] =	stream.linear.scatter [tilespmem:s15], [sflag:$0x2], $0x8000, $0x38;
	[tilespmem:$0x8200] =	vst v63  }
0x180: {  	_ =	swait.ge [sflag:s11], $0x8000  }
0x181: {  	[sflag:s11] =	ssyncset.done $0x0  }
0x182: {  	s10 =	sadd.s32 $0xFFFFFFFF, s10;
	[sflag:s11] =	ssyncadd.s32 $0xFFFF8000  }
0x183: {  	_ =	sfence.sel $0x180000  }
0x184: {  	[bflag:$0x0] =	sbarrier.arrive $0xFFFF  }
0x185: {  	_ =	strace $0x90000047  }
0x186: {  	s0 =	stileid.u32;
	[bflag:$0x2] =	sbarrier.arrive $0xFFFF  }
0x187: {  	p0 =	sne.s32 s0, $0x0;
	s0 =	rddreg [dreg:$0x3]  }
0x188: {  	s0 =	sadd.s32 @!p0 $0x100000, s0  }
0x189: {  	[sflag:s0] =	ssyncadd.tile.s32 @!p0 $0x1;
	_ =	shalt  }
.Lfunc_end2:
_tile_overlayer_lowered:
.L_overlay_start_2:
0x18a: {  	(tag) =	ssettag $0x2  }
0x18b: {  	s0 =	rddreg [dreg:$0x0];
	s2 =	stileid.u32  }
0x18c: {  	s1 =	rddreg [dreg:$0x1];
	p0 =	sne.s32 s2, $0x0  }
0x18d: {  	s3 =	rddreg [dreg:$0x2];
	[bflag:$0x3] =	sbarrier.arrive $0xFFFF;
	s2 =	simm.s32 @!p0 $0x1C02  }
0x18e: {  	[timem:s3], [sflag:s2] =	dma.local @!p0 [hbm:s0], s1  }
0x18f: {  	s0 =	simm.s32 @!p0 $0x2  }
0x190: {  	_ =	swait.ge @!p0 [sflag:s0], s1  }
0x191: {  	s1 =	ssub.s32 @!p0 $0x0, s1;
	[sflag:s0] =	ssyncset.done @!p0 $0x0  }
0x192: {  	[sflag:s0] =	ssyncadd.s32 @!p0 s1  }
0x193: {  	[bflag:$0x3] =	sbarrier.arrive $0xFFFF  }
0x194: {  	_ =	shalt  }

</sc_bundles>
